<compile_context>
chip_gen: v7x
topology: tpu7x:2x2x1
jax: 0.10.2.dev20260603
libtpu: 0.0.44.dev20260713+nightly
codegen_flags: <defaults>
</compile_context>

<pallas_src>
import functools

import jax
import jax.numpy as jnp
from jax import lax
from jax.experimental import pallas as pl
from jax.experimental.pallas import tpu as pltpu
from jax.experimental.pallas import tpu_sc as plsc

TOPK = 10
BETA = 2.0
NEG = -1.7e38
BIGI = 2**30



def _topk_body(nb, n_real, bn, q_ref, db_ref, outv_ref, outi_ref, runv, runi):
    j = pl.program_id(1)

    @pl.when(j == 0)
    def _init():
        runv[...] = jnp.full(runv.shape, NEG, jnp.float32)
        runi[...] = jnp.full(runi.shape, -1, jnp.int32)

    bq = q_ref.shape[0]
    tg = bn // 128
    s = lax.dot_general(q_ref[...], db_ref[...],
                        (((1,), (1,)), ((), ())),
                        preferred_element_type=jnp.float32)
    cols = j * bn + lax.broadcasted_iota(jnp.int32, (bq, bn), 1)
    s = jnp.where(cols < n_real, s, NEG)

    sr = s.reshape(bq, tg, 128)
    tt = lax.broadcasted_iota(jnp.int32, (bq, tg, 128), 1)
    lane = lax.broadcasted_iota(jnp.int32, (bq, 128), 1)
    base = j * bn + lane

    def _level(srx):
        p = jnp.max(srx, axis=1)
        t = jnp.min(jnp.where(srx == p[:, None, :], tt, BIGI), axis=1)
        nxt = jnp.where(tt == t[:, None, :], NEG, srx)
        return p, t, nxt

    p1, t1, sr2 = _level(sr)
    p2, t2, sr3 = _level(sr2)
    p3, t3, sr4 = _level(sr3)
    p4 = jnp.max(sr4, axis=1)
    j1 = base + t1 * 128
    j2 = base + t2 * 128
    j3 = base + t3 * 128

    x = jnp.concatenate([p1, p2, p3, runv[...]], axis=1)
    c = jnp.concatenate([j1, j2, j3, runi[...]], axis=1)
    newv, newi = [], []
    for _ in range(TOPK):
        m = jnp.max(x, axis=1, keepdims=True)
        ji = jnp.where(x == m, c, BIGI)
        am = jnp.min(ji, axis=1, keepdims=True)
        newv.append(m)
        newi.append(am)
        x = jnp.where(c == am, NEG, x)

    drained = ((x[:, 0:128] == NEG) & (p1 != NEG) &
               (x[:, 128:256] == NEG) & (p2 != NEG) &
               (x[:, 256:384] == NEG) & (p3 != NEG))
    flag = jnp.max(jnp.where(drained & (p4 >= newv[-1]), 1, 0))

    pad = runv.shape[1] - TOPK
    padv = [jnp.full((bq, pad), NEG, jnp.float32)]
    padi = [jnp.full((bq, pad), -1, jnp.int32)]

    @pl.when(flag == 0)
    def _fast():
        runv[...] = jnp.concatenate(newv + padv, axis=1)
        runi[...] = jnp.concatenate(newi + padi, axis=1)

    @pl.when(flag != 0)
    def _exact():
        sa = jnp.concatenate([s, runv[...]], axis=1)
        ca = jnp.concatenate([cols, runi[...]], axis=1)
        nv, ni = [], []
        for _ in range(TOPK):
            m = jnp.max(sa, axis=1, keepdims=True)
            ji = jnp.where(sa == m, ca, BIGI)
            am = jnp.min(ji, axis=1, keepdims=True)
            nv.append(m)
            ni.append(am)
            sa = jnp.where(ca == am, NEG, sa)
        runv[...] = jnp.concatenate(nv + padv, axis=1)
        runi[...] = jnp.concatenate(ni + padi, axis=1)

    @pl.when(j == nb - 1)
    def _flush():
        outv_ref[...] = runv[:, :TOPK]
        outi_ref[...] = runi[:, :TOPK]


def _topk(q, db_p, n_real, bq=256, bn=2048, interpret=False):
    qn, d = q.shape
    npad = db_p.shape[0]
    assert qn % bq == 0 and npad % bn == 0
    grid = (qn // bq, npad // bn)
    body = functools.partial(_topk_body, grid[1], n_real, bn)
    return pl.pallas_call(
        body,
        grid=grid,
        in_specs=[
            pl.BlockSpec((bq, d), lambda i, j: (i, 0)),
            pl.BlockSpec((bn, d), lambda i, j: (j, 0)),
        ],
        out_specs=[
            pl.BlockSpec((bq, TOPK), lambda i, j: (i, 0)),
            pl.BlockSpec((bq, TOPK), lambda i, j: (i, 0)),
        ],
        out_shape=[
            jax.ShapeDtypeStruct((qn, TOPK), jnp.float32),
            jax.ShapeDtypeStruct((qn, TOPK), jnp.int32),
        ],
        scratch_shapes=[
            pltpu.VMEM((bq, 16), jnp.float32),
            pltpu.VMEM((bq, 16), jnp.int32),
        ],
        compiler_params=pltpu.CompilerParams(
            dimension_semantics=("parallel", "arbitrary")),
        interpret=interpret,
    )(q, db_p)



def _sc_gather(table, idx):
    b, d = idx.shape[0], table.shape[1]
    info = plsc.get_sparse_core_info()
    nc, ns = info.num_cores, info.num_subcores
    nw = nc * ns
    assert b % (8 * nw) == 0
    b_per_w = b // nw
    chunk = b_per_w
    while chunk * d * 4 > 400 * 1024:
        chunk //= 2
    assert b_per_w % chunk == 0 and chunk % 8 == 0
    nchunks = b_per_w // chunk
    mesh = plsc.VectorSubcoreMesh(core_axis_name="c", subcore_axis_name="s")

    @functools.partial(
        pl.kernel, mesh=mesh,
        out_type=jax.ShapeDtypeStruct((b, d), jnp.float32),
        scratch_types=[
            pltpu.VMEM((chunk,), jnp.int32),
            pltpu.VMEM((chunk, d), jnp.float32),
            pltpu.SemaphoreType.DMA,
        ],
    )
    def k(table_hbm, idx_hbm, out_hbm, idx_v, rows_v, sem):
        wid = lax.axis_index("s") * nc + lax.axis_index("c")
        base = wid * b_per_w
        for c in range(nchunks):
            off = base + c * chunk
            pltpu.sync_copy(idx_hbm.at[pl.ds(off, chunk)], idx_v)
            pltpu.async_copy(table_hbm.at[idx_v], rows_v, sem).wait()
            pltpu.sync_copy(rows_v, out_hbm.at[pl.ds(off, chunk)])

    return k(table, idx)



def _rsqrt_nr(x):
    r = lax.rsqrt(x)
    r = r * (1.5 - 0.5 * x * r * r)
    r = r * (1.5 - 0.5 * x * r * r)
    return r


def _epilogue_body(q_ref, v1_ref, ids1_ref, s2_ref, v2_ref, rid_ref, rs_ref):
    bq = q_ref.shape[0]
    d = q_ref.shape[1]
    q = q_ref[...]
    v1 = v1_ref[...].reshape(bq, TOPK, d)
    s2 = s2_ref[...]
    v2 = v2_ref[...].reshape(bq * TOPK, TOPK, d)

    top9 = jnp.max(v1[:, : TOPK - 1, :], axis=1)
    qtk = jnp.maximum(q, top9)
    qn = qtk * _rsqrt_nr(
        jnp.maximum(jnp.sum(qtk * qtk, axis=1, keepdims=True), 1e-24))

    w = s2 * BETA
    qrep = jnp.broadcast_to(q[:, None, :], (bq, TOPK, d)).reshape(bq * TOPK, d)
    ws = jnp.sum(v2 * w[:, :, None], axis=1) + BETA * qrep
    nf = 1.0 + BETA + jnp.sum(w, axis=1, keepdims=True)
    sgn = jnp.where(nf >= 0.0, 1.0, -1.0)
    inv = _rsqrt_nr(
        jnp.maximum(jnp.sum(ws * ws, axis=1, keepdims=True), 1e-24))
    refined = ws * (sgn * inv)

    def _bf(x):
        return x.astype(jnp.bfloat16).astype(jnp.float32)

    refb = _bf(refined)
    sc = 0.5 * (jnp.sum(refb * _bf(qrep), axis=1) +
                jnp.sum(refb.reshape(bq, TOPK, d) * _bf(qn)[:, None, :],
                        axis=2).reshape(bq * TOPK))
    sc = sc.reshape(bq, TOPK)

    ids1 = ids1_ref[...]
    mio = lax.broadcasted_iota(jnp.int32, (bq, TOPK), 1)
    vals, rids = [], []
    for _ in range(3):
        m = jnp.max(sc, axis=1, keepdims=True)
        pos = jnp.min(jnp.where(sc == m, mio, BIGI), axis=1, keepdims=True)
        vals.append(m)
        rids.append(jnp.sum(jnp.where(mio == pos, ids1, 0), axis=1,
                            keepdims=True))
        sc = jnp.where(mio == pos, NEG, sc)
    rs_ref[...] = jnp.concatenate(vals, axis=1)
    rid_ref[...] = jnp.concatenate(rids, axis=1)


def _epilogue(q, v1, ids1, s2, v2, bq=128, interpret=False):
    qn, d = q.shape
    grid = (qn // bq,)
    return pl.pallas_call(
        _epilogue_body,
        grid=grid,
        in_specs=[
            pl.BlockSpec((bq, d), lambda i: (i, 0)),
            pl.BlockSpec((bq * TOPK, d), lambda i: (i, 0)),
            pl.BlockSpec((bq, TOPK), lambda i: (i, 0)),
            pl.BlockSpec((bq * TOPK, TOPK), lambda i: (i, 0)),
            pl.BlockSpec((bq * TOPK * TOPK, d), lambda i: (i, 0)),
        ],
        out_specs=[
            pl.BlockSpec((bq, 3), lambda i: (i, 0)),
            pl.BlockSpec((bq, 3), lambda i: (i, 0)),
        ],
        out_shape=[
            jax.ShapeDtypeStruct((qn, 3), jnp.int32),
            jax.ShapeDtypeStruct((qn, 3), jnp.float32),
        ],
        interpret=interpret,
    )(q, v1, ids1, s2, v2)



def kernel(query_features, db):
    n, d = db.shape
    bn = 2048
    npad = ((n + bn - 1) // bn) * bn
    db_p = jnp.concatenate(
        [db, jnp.zeros((npad - n, d), db.dtype)], axis=0)

    _, ids1 = _topk(query_features, db_p, n)
    ids1_flat = ids1.reshape(-1)
    top_m = _sc_gather(db_p, ids1_flat)

    s2, ids2 = _topk(top_m, db_p, n)
    v2 = _sc_gather(db_p, ids2.reshape(-1))

    rid, rs = _epilogue(query_features, top_m, ids1, s2, v2)
    return (rid, rs)

# --- scband reference (transcript-rebuilt; emitter-appended) ---
"""Pipeline reference for scband-super-global-rerank-49426483642969 (READ-ONLY COPY).

The authoritative reference and input builder live on the scoring server;
editing this copy changes nothing except your own understanding.
"""

import jax, jax.numpy as jnp
import numpy as np

TOP_X = 3
M = 10
K = 10
BETA = 2


def _l2norm(x, eps=1e-12):
    n = jnp.linalg.norm(x, ord=2, axis=-1, keepdims=True)
    return x / jnp.maximum(n, eps)


def _get_top_k(db, q, k):
    # brute-force inner-product vector DB search
    scores = q @ db.T                      # [Q, N]
    top_scores, ids = jax.lax.top_k(scores, k)  # [Q, k]
    vecs = db[ids]                         # gather: [Q, k, d]
    return vecs, top_scores, ids


def setup_inputs(seed: int = 0) -> dict:
    key = jax.random.key(seed)
    k1, k2 = jax.random.split(key)
    query_features = jax.random.normal(k1, (1024, 128), dtype=jnp.float32)
    db = jax.random.normal(k2, (100000, 128), dtype=jnp.float32)
    return {"query_features": query_features, "db": db}


def reference(query_features, db):
    B = query_features.shape[0]
    d = query_features.shape[-1]
    # first-hop retrieval
    top_m, _, top_m_ids = _get_top_k(db, query_features, M)          # [B, M, d]
    top_k = top_m[:, : K - 1]                                        # [B, K-1, d]
    query_top_k = jnp.concatenate((query_features[:, None, :], top_k), axis=1)
    query_top_k = jnp.max(query_top_k, axis=1)                       # [B, d]
    # second-hop retrieval from retrieved neighbors
    top_m_reshaped = top_m.reshape(-1, d)                            # [B*M, d]
    top_k_m, top_k_m_scores, _ = _get_top_k(db, top_m_reshaped, K)
    top_k_m = top_k_m.reshape(B, M, K, -1)
    top_k_m_scores = top_k_m_scores.reshape(B, M, K)
    expanded_q = jnp.broadcast_to(query_features[:, None, None, :], (B, M, 1, d))
    top_k_m = jnp.concatenate((expanded_q, top_k_m), axis=2)         # [B, M, K+1, d]
    ones = jnp.ones((B, M, 1), dtype=query_features.dtype)
    top_k_m_scores = jnp.concatenate((ones, top_k_m_scores), axis=2) # [B, M, K+1]
    weights = top_k_m_scores * BETA
    weighted_top_k = top_k_m * weights[..., None]
    weighted_sum = weighted_top_k.sum(axis=2)                        # [B, M, d]
    normalizing_factor = 1 + weights.sum(axis=2, keepdims=True)
    top_m_refined = weighted_sum / normalizing_factor
    top_m_refined = _l2norm(top_m_refined)
    query_top_k = _l2norm(query_top_k)
    score_1 = jnp.einsum('ijk,ik->ij', top_m_refined, query_features)
    score_2 = jnp.einsum('ijk,ik->ij', top_m_refined, query_top_k)
    final_scores = (score_1 + score_2) / 2
    top_x_scores, top_x_indices = jax.lax.top_k(final_scores, TOP_X)
    reranked_ids = jnp.take_along_axis(top_m_ids, top_x_indices, axis=1)
    return (reranked_ids, top_x_scores)

if __name__ == "__main__":
    import jax
    _d = setup_inputs()
    print(jax.jit(kernel)(*tuple(_d.values())))

</pallas_src>

<mosaic_0001>
#map = affine_map<(d0, d1) -> (0, 0)>
#map1 = affine_map<(d0, d1) -> (0)>
module attributes {stable_mosaic.version = 14 : i64} {
  func.func @k(%arg0: i32, %arg1: i32, %arg2: memref<100352x128xf32, #tpu.memory_space<hbm>>, %arg3: memref<10240xi32, #tpu.memory_space<hbm>>, %arg4: memref<10240x128xf32, #tpu.memory_space<hbm>>, %arg5: memref<320xi32, #tpu.memory_space<vmem>>, %arg6: memref<320x128xf32, #tpu.memory_space<vmem>>, %arg7: memref<!tpu.dma_semaphore, #tpu.memory_space<semaphore_mem>>) attributes {dimension_semantics = [#tpu.dimension_semantics<core_parallel>, #tpu.dimension_semantics<subcore_parallel>], iteration_bounds = array<i64: 2, 16>, scalar_prefetch = 0 : i64, scratch_operands = 3 : i64, tpu.core_type = #tpu.core_type<sc_vector_subcore>, window_params = [{transform_indices = #map}, {transform_indices = #map1}, {transform_indices = #map}]} {
    %mul3A = arith.constant 2 : i32
    %mul3A_0 = arith.muli %arg1, %mul3A : i32
    %add3A = arith.addi %mul3A_0, %arg0 : i32
    %mul3A_1 = arith.constant 320 : i32
    %mul3A_2 = arith.muli %add3A, %mul3A_1 : i32
    %add3A_3 = arith.constant 0 : i32
    %add3A_4 = arith.addi %mul3A_2, %add3A_3 : i32
    "tpu.region"() ({
      %run_scoped3A = tpu.sem_alloc : memref<!tpu.dma_semaphore, #tpu.memory_space<semaphore_mem>>
      %dma_start3A_9 = tpu.memref_slice %arg3[%add3A_4] : memref<10240xi32, #tpu.memory_space<hbm>> -> memref<320xi32, #tpu.memory_space<hbm>>
      %dma_start3A_10 = tpu.memref_slice %arg3[%add3A_4] : memref<10240xi32, #tpu.memory_space<hbm>> -> memref<320xi32, #tpu.memory_space<hbm>>
      tpu.enqueue_dma source(%dma_start3A_10 : memref<320xi32, #tpu.memory_space<hbm>>) target(%arg5 : memref<320xi32, #tpu.memory_space<vmem>>) target_semaphore(%run_scoped3A : memref<!tpu.dma_semaphore, #tpu.memory_space<semaphore_mem>>)
      %dma_wait3A_11 = tpu.memref_slice %arg3[%add3A_4] : memref<10240xi32, #tpu.memory_space<hbm>> -> memref<320xi32, #tpu.memory_space<hbm>>
      %dma_wait3A_12 = tpu.memref_slice %arg3[%add3A_4] : memref<10240xi32, #tpu.memory_space<hbm>> -> memref<320xi32, #tpu.memory_space<hbm>>
      tpu.wait_dma2 semaphore(%run_scoped3A : memref<!tpu.dma_semaphore, #tpu.memory_space<semaphore_mem>>) src(%dma_wait3A_12 : memref<320xi32, #tpu.memory_space<hbm>>) dst(%arg5 : memref<320xi32, #tpu.memory_space<vmem>>)
      tpu.yield
    }) : () -> ()
    %dma_start3A = arith.constant 0 : i32
    %dma_start3A_5 = arith.constant 0 : i32
    %dma_start3A_6 = tpu.memref_slice %arg2[%dma_start3A, %dma_start3A_5] : memref<100352x128xf32, #tpu.memory_space<hbm>> -> memref<100352x128xf32, #tpu.memory_space<hbm>>
    tpu.enqueue_indirect_dma source(%dma_start3A_6 : memref<100352x128xf32, #tpu.memory_space<hbm>>) target(%arg6 : memref<320x128xf32, #tpu.memory_space<vmem>>) offsets(%arg5 : memref<320xi32, #tpu.memory_space<vmem>>) semaphore(%arg7 : memref<!tpu.dma_semaphore, #tpu.memory_space<semaphore_mem>>)
    %dma_wait3A = arith.constant 0 : i32
    %dma_wait3A_7 = arith.constant 0 : i32
    %dma_wait3A_8 = tpu.memref_slice %arg2[%dma_wait3A, %dma_wait3A_7] : memref<100352x128xf32, #tpu.memory_space<hbm>> -> memref<100352x128xf32, #tpu.memory_space<hbm>>
    tpu.wait_indirect_dma semaphore(%arg7 : memref<!tpu.dma_semaphore, #tpu.memory_space<semaphore_mem>>) src(%dma_wait3A_8 : memref<100352x128xf32, #tpu.memory_space<hbm>>) dst(%arg6 : memref<320x128xf32, #tpu.memory_space<vmem>>)
    "tpu.region"() ({
      %run_scoped3A = tpu.sem_alloc : memref<!tpu.dma_semaphore, #tpu.memory_space<semaphore_mem>>
      %dma_start3A_9 = arith.constant 0 : i32
      %dma_start3A_10 = tpu.memref_slice %arg4[%add3A_4, %dma_start3A_9] : memref<10240x128xf32, #tpu.memory_space<hbm>> -> memref<320x128xf32, #tpu.memory_space<hbm>>
      %dma_start3A_11 = arith.constant 0 : i32
      %dma_start3A_12 = tpu.memref_slice %arg4[%add3A_4, %dma_start3A_11] : memref<10240x128xf32, #tpu.memory_space<hbm>> -> memref<320x128xf32, #tpu.memory_space<hbm>>
      tpu.enqueue_dma source(%arg6 : memref<320x128xf32, #tpu.memory_space<vmem>>) target(%dma_start3A_12 : memref<320x128xf32, #tpu.memory_space<hbm>>) target_semaphore(%run_scoped3A : memref<!tpu.dma_semaphore, #tpu.memory_space<semaphore_mem>>)
      %dma_wait3A_13 = arith.constant 0 : i32
      %dma_wait3A_14 = tpu.memref_slice %arg4[%add3A_4, %dma_wait3A_13] : memref<10240x128xf32, #tpu.memory_space<hbm>> -> memref<320x128xf32, #tpu.memory_space<hbm>>
      %dma_wait3A_15 = arith.constant 0 : i32
      %dma_wait3A_16 = tpu.memref_slice %arg4[%add3A_4, %dma_wait3A_15] : memref<10240x128xf32, #tpu.memory_space<hbm>> -> memref<320x128xf32, #tpu.memory_space<hbm>>
      tpu.wait_dma2 semaphore(%run_scoped3A : memref<!tpu.dma_semaphore, #tpu.memory_space<semaphore_mem>>) src(%arg6 : memref<320x128xf32, #tpu.memory_space<vmem>>) dst(%dma_wait3A_16 : memref<320x128xf32, #tpu.memory_space<hbm>>)
      tpu.yield
    }) : () -> ()
    return
  }
}

#map = affine_map<(d0, d1) -> (0, 0)>
#map1 = affine_map<(d0, d1) -> (0)>
module attributes {stable_mosaic.version = 14 : i64} {
  func.func @k(%arg0: i32, %arg1: i32, %arg2: memref<100352x128xf32, #tpu.memory_space<hbm>>, %arg3: memref<102400xi32, #tpu.memory_space<hbm>>, %arg4: memref<102400x128xf32, #tpu.memory_space<hbm>>, %arg5: memref<800xi32, #tpu.memory_space<vmem>>, %arg6: memref<800x128xf32, #tpu.memory_space<vmem>>, %arg7: memref<!tpu.dma_semaphore, #tpu.memory_space<semaphore_mem>>) attributes {dimension_semantics = [#tpu.dimension_semantics<core_parallel>, #tpu.dimension_semantics<subcore_parallel>], iteration_bounds = array<i64: 2, 16>, scalar_prefetch = 0 : i64, scratch_operands = 3 : i64, tpu.core_type = #tpu.core_type<sc_vector_subcore>, window_params = [{transform_indices = #map}, {transform_indices = #map1}, {transform_indices = #map}]} {
    %mul3A = arith.constant 2 : i32
    %mul3A_0 = arith.muli %arg1, %mul3A : i32
    %add3A = arith.addi %mul3A_0, %arg0 : i32
    %mul3A_1 = arith.constant 3200 : i32
    %mul3A_2 = arith.muli %add3A, %mul3A_1 : i32
    %add3A_3 = arith.constant 0 : i32
    %add3A_4 = arith.addi %mul3A_2, %add3A_3 : i32
    "tpu.region"() ({
      %run_scoped3A = tpu.sem_alloc : memref<!tpu.dma_semaphore, #tpu.memory_space<semaphore_mem>>
      %dma_start3A_33 = tpu.memref_slice %arg3[%add3A_4] : memref<102400xi32, #tpu.memory_space<hbm>> -> memref<800xi32, #tpu.memory_space<hbm>>
      %dma_start3A_34 = tpu.memref_slice %arg3[%add3A_4] : memref<102400xi32, #tpu.memory_space<hbm>> -> memref<800xi32, #tpu.memory_space<hbm>>
      tpu.enqueue_dma source(%dma_start3A_34 : memref<800xi32, #tpu.memory_space<hbm>>) target(%arg5 : memref<800xi32, #tpu.memory_space<vmem>>) target_semaphore(%run_scoped3A : memref<!tpu.dma_semaphore, #tpu.memory_space<semaphore_mem>>)
      %dma_wait3A_35 = tpu.memref_slice %arg3[%add3A_4] : memref<102400xi32, #tpu.memory_space<hbm>> -> memref<800xi32, #tpu.memory_space<hbm>>
      %dma_wait3A_36 = tpu.memref_slice %arg3[%add3A_4] : memref<102400xi32, #tpu.memory_space<hbm>> -> memref<800xi32, #tpu.memory_space<hbm>>
      tpu.wait_dma2 semaphore(%run_scoped3A : memref<!tpu.dma_semaphore, #tpu.memory_space<semaphore_mem>>) src(%dma_wait3A_36 : memref<800xi32, #tpu.memory_space<hbm>>) dst(%arg5 : memref<800xi32, #tpu.memory_space<vmem>>)
      tpu.yield
    }) : () -> ()
    %dma_start3A = arith.constant 0 : i32
    %dma_start3A_5 = arith.constant 0 : i32
    %dma_start3A_6 = tpu.memref_slice %arg2[%dma_start3A, %dma_start3A_5] : memref<100352x128xf32, #tpu.memory_space<hbm>> -> memref<100352x128xf32, #tpu.memory_space<hbm>>
    tpu.enqueue_indirect_dma source(%dma_start3A_6 : memref<100352x128xf32, #tpu.memory_space<hbm>>) target(%arg6 : memref<800x128xf32, #tpu.memory_space<vmem>>) offsets(%arg5 : memref<800xi32, #tpu.memory_space<vmem>>) semaphore(%arg7 : memref<!tpu.dma_semaphore, #tpu.memory_space<semaphore_mem>>)
    %dma_wait3A = arith.constant 0 : i32
    %dma_wait3A_7 = arith.constant 0 : i32
    %dma_wait3A_8 = tpu.memref_slice %arg2[%dma_wait3A, %dma_wait3A_7] : memref<100352x128xf32, #tpu.memory_space<hbm>> -> memref<100352x128xf32, #tpu.memory_space<hbm>>
    tpu.wait_indirect_dma semaphore(%arg7 : memref<!tpu.dma_semaphore, #tpu.memory_space<semaphore_mem>>) src(%dma_wait3A_8 : memref<100352x128xf32, #tpu.memory_space<hbm>>) dst(%arg6 : memref<800x128xf32, #tpu.memory_space<vmem>>)
    "tpu.region"() ({
      %run_scoped3A = tpu.sem_alloc : memref<!tpu.dma_semaphore, #tpu.memory_space<semaphore_mem>>
      %dma_start3A_33 = arith.constant 0 : i32
      %dma_start3A_34 = tpu.memref_slice %arg4[%add3A_4, %dma_start3A_33] : memref<102400x128xf32, #tpu.memory_space<hbm>> -> memref<800x128xf32, #tpu.memory_space<hbm>>
      %dma_start3A_35 = arith.constant 0 : i32
      %dma_start3A_36 = tpu.memref_slice %arg4[%add3A_4, %dma_start3A_35] : memref<102400x128xf32, #tpu.memory_space<hbm>> -> memref<800x128xf32, #tpu.memory_space<hbm>>
      tpu.enqueue_dma source(%arg6 : memref<800x128xf32, #tpu.memory_space<vmem>>) target(%dma_start3A_36 : memref<800x128xf32, #tpu.memory_space<hbm>>) target_semaphore(%run_scoped3A : memref<!tpu.dma_semaphore, #tpu.memory_space<semaphore_mem>>)
      %dma_wait3A_37 = arith.constant 0 : i32
      %dma_wait3A_38 = tpu.memref_slice %arg4[%add3A_4, %dma_wait3A_37] : memref<102400x128xf32, #tpu.memory_space<hbm>> -> memref<800x128xf32, #tpu.memory_space<hbm>>
      %dma_wait3A_39 = arith.constant 0 : i32
      %dma_wait3A_40 = tpu.memref_slice %arg4[%add3A_4, %dma_wait3A_39] : memref<102400x128xf32, #tpu.memory_space<hbm>> -> memref<800x128xf32, #tpu.memory_space<hbm>>
      tpu.wait_dma2 semaphore(%run_scoped3A : memref<!tpu.dma_semaphore, #tpu.memory_space<semaphore_mem>>) src(%arg6 : memref<800x128xf32, #tpu.memory_space<vmem>>) dst(%dma_wait3A_40 : memref<800x128xf32, #tpu.memory_space<hbm>>)
      tpu.yield
    }) : () -> ()
    %add3A_9 = arith.constant 800 : i32
    %add3A_10 = arith.addi %mul3A_2, %add3A_9 : i32
    "tpu.region"() ({
      %run_scoped3A = tpu.sem_alloc : memref<!tpu.dma_semaphore, #tpu.memory_space<semaphore_mem>>
      %dma_start3A_33 = tpu.memref_slice %arg3[%add3A_10] : memref<102400xi32, #tpu.memory_space<hbm>> -> memref<800xi32, #tpu.memory_space<hbm>>
      %dma_start3A_34 = tpu.memref_slice %arg3[%add3A_10] : memref<102400xi32, #tpu.memory_space<hbm>> -> memref<800xi32, #tpu.memory_space<hbm>>
      tpu.enqueue_dma source(%dma_start3A_34 : memref<800xi32, #tpu.memory_space<hbm>>) target(%arg5 : memref<800xi32, #tpu.memory_space<vmem>>) target_semaphore(%run_scoped3A : memref<!tpu.dma_semaphore, #tpu.memory_space<semaphore_mem>>)
      %dma_wait3A_35 = tpu.memref_slice %arg3[%add3A_10] : memref<102400xi32, #tpu.memory_space<hbm>> -> memref<800xi32, #tpu.memory_space<hbm>>
      %dma_wait3A_36 = tpu.memref_slice %arg3[%add3A_10] : memref<102400xi32, #tpu.memory_space<hbm>> -> memref<800xi32, #tpu.memory_space<hbm>>
      tpu.wait_dma2 semaphore(%run_scoped3A : memref<!tpu.dma_semaphore, #tpu.memory_space<semaphore_mem>>) src(%dma_wait3A_36 : memref<800xi32, #tpu.memory_space<hbm>>) dst(%arg5 : memref<800xi32, #tpu.memory_space<vmem>>)
      tpu.yield
    }) : () -> ()
    %dma_start3A_11 = arith.constant 0 : i32
    %dma_start3A_12 = arith.constant 0 : i32
    %dma_start3A_13 = tpu.memref_slice %arg2[%dma_start3A_11, %dma_start3A_12] : memref<100352x128xf32, #tpu.memory_space<hbm>> -> memref<100352x128xf32, #tpu.memory_space<hbm>>
    tpu.enqueue_indirect_dma source(%dma_start3A_13 : memref<100352x128xf32, #tpu.memory_space<hbm>>) target(%arg6 : memref<800x128xf32, #tpu.memory_space<vmem>>) offsets(%arg5 : memref<800xi32, #tpu.memory_space<vmem>>) semaphore(%arg7 : memref<!tpu.dma_semaphore, #tpu.memory_space<semaphore_mem>>)
    %dma_wait3A_14 = arith.constant 0 : i32
    %dma_wait3A_15 = arith.constant 0 : i32
    %dma_wait3A_16 = tpu.memref_slice %arg2[%dma_wait3A_14, %dma_wait3A_15] : memref<100352x128xf32, #tpu.memory_space<hbm>> -> memref<100352x128xf32, #tpu.memory_space<hbm>>
    tpu.wait_indirect_dma semaphore(%arg7 : memref<!tpu.dma_semaphore, #tpu.memory_space<semaphore_mem>>) src(%dma_wait3A_16 : memref<100352x128xf32, #tpu.memory_space<hbm>>) dst(%arg6 : memref<800x128xf32, #tpu.memory_space<vmem>>)
    "tpu.region"() ({
      %run_scoped3A = tpu.sem_alloc : memref<!tpu.dma_semaphore, #tpu.memory_space<semaphore_mem>>
      %dma_start3A_33 = arith.constant 0 : i32
      %dma_start3A_34 = tpu.memref_slice %arg4[%add3A_10, %dma_start3A_33] : memref<102400x128xf32, #tpu.memory_space<hbm>> -> memref<800x128xf32, #tpu.memory_space<hbm>>
      %dma_start3A_35 = arith.constant 0 : i32
      %dma_start3A_36 = tpu.memref_slice %arg4[%add3A_10, %dma_start3A_35] : memref<102400x128xf32, #tpu.memory_space<hbm>> -> memref<800x128xf32, #tpu.memory_space<hbm>>
      tpu.enqueue_dma source(%arg6 : memref<800x128xf32, #tpu.memory_space<vmem>>) target(%dma_start3A_36 : memref<800x128xf32, #tpu.memory_space<hbm>>) target_semaphore(%run_scoped3A : memref<!tpu.dma_semaphore, #tpu.memory_space<semaphore_mem>>)
      %dma_wait3A_37 = arith.constant 0 : i32
      %dma_wait3A_38 = tpu.memref_slice %arg4[%add3A_10, %dma_wait3A_37] : memref<102400x128xf32, #tpu.memory_space<hbm>> -> memref<800x128xf32, #tpu.memory_space<hbm>>
      %dma_wait3A_39 = arith.constant 0 : i32
      %dma_wait3A_40 = tpu.memref_slice %arg4[%add3A_10, %dma_wait3A_39] : memref<102400x128xf32, #tpu.memory_space<hbm>> -> memref<800x128xf32, #tpu.memory_space<hbm>>
      tpu.wait_dma2 semaphore(%run_scoped3A : memref<!tpu.dma_semaphore, #tpu.memory_space<semaphore_mem>>) src(%arg6 : memref<800x128xf32, #tpu.memory_space<vmem>>) dst(%dma_wait3A_40 : memref<800x128xf32, #tpu.memory_space<hbm>>)
      tpu.yield
    }) : () -> ()
    %add3A_17 = arith.constant 1600 : i32
    %add3A_18 = arith.addi %mul3A_2, %add3A_17 : i32
    "tpu.region"() ({
      %run_scoped3A = tpu.sem_alloc : memref<!tpu.dma_semaphore, #tpu.memory_space<semaphore_mem>>
      %dma_start3A_33 = tpu.memref_slice %arg3[%add3A_18] : memref<102400xi32, #tpu.memory_space<hbm>> -> memref<800xi32, #tpu.memory_space<hbm>>
      %dma_start3A_34 = tpu.memref_slice %arg3[%add3A_18] : memref<102400xi32, #tpu.memory_space<hbm>> -> memref<800xi32, #tpu.memory_space<hbm>>
      tpu.enqueue_dma source(%dma_start3A_34 : memref<800xi32, #tpu.memory_space<hbm>>) target(%arg5 : memref<800xi32, #tpu.memory_space<vmem>>) target_semaphore(%run_scoped3A : memref<!tpu.dma_semaphore, #tpu.memory_space<semaphore_mem>>)
      %dma_wait3A_35 = tpu.memref_slice %arg3[%add3A_18] : memref<102400xi32, #tpu.memory_space<hbm>> -> memref<800xi32, #tpu.memory_space<hbm>>
      %dma_wait3A_36 = tpu.memref_slice %arg3[%add3A_18] : memref<102400xi32, #tpu.memory_space<hbm>> -> memref<800xi32, #tpu.memory_space<hbm>>
      tpu.wait_dma2 semaphore(%run_scoped3A : memref<!tpu.dma_semaphore, #tpu.memory_space<semaphore_mem>>) src(%dma_wait3A_36 : memref<800xi32, #tpu.memory_space<hbm>>) dst(%arg5 : memref<800xi32, #tpu.memory_space<vmem>>)
      tpu.yield
    }) : () -> ()
    %dma_start3A_19 = arith.constant 0 : i32
    %dma_start3A_20 = arith.constant 0 : i32
    %dma_start3A_21 = tpu.memref_slice %arg2[%dma_start3A_19, %dma_start3A_20] : memref<100352x128xf32, #tpu.memory_space<hbm>> -> memref<100352x128xf32, #tpu.memory_space<hbm>>
    tpu.enqueue_indirect_dma source(%dma_start3A_21 : memref<100352x128xf32, #tpu.memory_space<hbm>>) target(%arg6 : memref<800x128xf32, #tpu.memory_space<vmem>>) offsets(%arg5 : memref<800xi32, #tpu.memory_space<vmem>>) semaphore(%arg7 : memref<!tpu.dma_semaphore, #tpu.memory_space<semaphore_mem>>)
    %dma_wait3A_22 = arith.constant 0 : i32
    %dma_wait3A_23 = arith.constant 0 : i32
    %dma_wait3A_24 = tpu.memref_slice %arg2[%dma_wait3A_22, %dma_wait3A_23] : memref<100352x128xf32, #tpu.memory_space<hbm>> -> memref<100352x128xf32, #tpu.memory_space<hbm>>
    tpu.wait_indirect_dma semaphore(%arg7 : memref<!tpu.dma_semaphore, #tpu.memory_space<semaphore_mem>>) src(%dma_wait3A_24 : memref<100352x128xf32, #tpu.memory_space<hbm>>) dst(%arg6 : memref<800x128xf32, #tpu.memory_space<vmem>>)
    "tpu.region"() ({
      %run_scoped3A = tpu.sem_alloc : memref<!tpu.dma_semaphore, #tpu.memory_space<semaphore_mem>>
      %dma_start3A_33 = arith.constant 0 : i32
      %dma_start3A_34 = tpu.memref_slice %arg4[%add3A_18, %dma_start3A_33] : memref<102400x128xf32, #tpu.memory_space<hbm>> -> memref<800x128xf32, #tpu.memory_space<hbm>>
      %dma_start3A_35 = arith.constant 0 : i32
      %dma_start3A_36 = tpu.memref_slice %arg4[%add3A_18, %dma_start3A_35] : memref<102400x128xf32, #tpu.memory_space<hbm>> -> memref<800x128xf32, #tpu.memory_space<hbm>>
      tpu.enqueue_dma source(%arg6 : memref<800x128xf32, #tpu.memory_space<vmem>>) target(%dma_start3A_36 : memref<800x128xf32, #tpu.memory_space<hbm>>) target_semaphore(%run_scoped3A : memref<!tpu.dma_semaphore, #tpu.memory_space<semaphore_mem>>)
      %dma_wait3A_37 = arith.constant 0 : i32
      %dma_wait3A_38 = tpu.memref_slice %arg4[%add3A_18, %dma_wait3A_37] : memref<102400x128xf32, #tpu.memory_space<hbm>> -> memref<800x128xf32, #tpu.memory_space<hbm>>
      %dma_wait3A_39 = arith.constant 0 : i32
      %dma_wait3A_40 = tpu.memref_slice %arg4[%add3A_18, %dma_wait3A_39] : memref<102400x128xf32, #tpu.memory_space<hbm>> -> memref<800x128xf32, #tpu.memory_space<hbm>>
      tpu.wait_dma2 semaphore(%run_scoped3A : memref<!tpu.dma_semaphore, #tpu.memory_space<semaphore_mem>>) src(%arg6 : memref<800x128xf32, #tpu.memory_space<vmem>>) dst(%dma_wait3A_40 : memref<800x128xf32, #tpu.memory_space<hbm>>)
      tpu.yield
    }) : () -> ()
    %add3A_25 = arith.constant 2400 : i32
    %add3A_26 = arith.addi %mul3A_2, %add3A_25 : i32
    "tpu.region"() ({
      %run_scoped3A = tpu.sem_alloc : memref<!tpu.dma_semaphore, #tpu.memory_space<semaphore_mem>>
      %dma_start3A_33 = tpu.memref_slice %arg3[%add3A_26] : memref<102400xi32, #tpu.memory_space<hbm>> -> memref<800xi32, #tpu.memory_space<hbm>>
      %dma_start3A_34 = tpu.memref_slice %arg3[%add3A_26] : memref<102400xi32, #tpu.memory_space<hbm>> -> memref<800xi32, #tpu.memory_space<hbm>>
      tpu.enqueue_dma source(%dma_start3A_34 : memref<800xi32, #tpu.memory_space<hbm>>) target(%arg5 : memref<800xi32, #tpu.memory_space<vmem>>) target_semaphore(%run_scoped3A : memref<!tpu.dma_semaphore, #tpu.memory_space<semaphore_mem>>)
      %dma_wait3A_35 = tpu.memref_slice %arg3[%add3A_26] : memref<102400xi32, #tpu.memory_space<hbm>> -> memref<800xi32, #tpu.memory_space<hbm>>
      %dma_wait3A_36 = tpu.memref_slice %arg3[%add3A_26] : memref<102400xi32, #tpu.memory_space<hbm>> -> memref<800xi32, #tpu.memory_space<hbm>>
      tpu.wait_dma2 semaphore(%run_scoped3A : memref<!tpu.dma_semaphore, #tpu.memory_space<semaphore_mem>>) src(%dma_wait3A_36 : memref<800xi32, #tpu.memory_space<hbm>>) dst(%arg5 : memref<800xi32, #tpu.memory_space<vmem>>)
      tpu.yield
    }) : () -> ()
    %dma_start3A_27 = arith.constant 0 : i32
    %dma_start3A_28 = arith.constant 0 : i32
    %dma_start3A_29 = tpu.memref_slice %arg2[%dma_start3A_27, %dma_start3A_28] : memref<100352x128xf32, #tpu.memory_space<hbm>> -> memref<100352x128xf32, #tpu.memory_space<hbm>>
    tpu.enqueue_indirect_dma source(%dma_start3A_29 : memref<100352x128xf32, #tpu.memory_space<hbm>>) target(%arg6 : memref<800x128xf32, #tpu.memory_space<vmem>>) offsets(%arg5 : memref<800xi32, #tpu.memory_space<vmem>>) semaphore(%arg7 : memref<!tpu.dma_semaphore, #tpu.memory_space<semaphore_mem>>)
    %dma_wait3A_30 = arith.constant 0 : i32
    %dma_wait3A_31 = arith.constant 0 : i32
    %dma_wait3A_32 = tpu.memref_slice %arg2[%dma_wait3A_30, %dma_wait3A_31] : memref<100352x128xf32, #tpu.memory_space<hbm>> -> memref<100352x128xf32, #tpu.memory_space<hbm>>
    tpu.wait_indirect_dma semaphore(%arg7 : memref<!tpu.dma_semaphore, #tpu.memory_space<semaphore_mem>>) src(%dma_wait3A_32 : memref<100352x128xf32, #tpu.memory_space<hbm>>) dst(%arg6 : memref<800x128xf32, #tpu.memory_space<vmem>>)
    "tpu.region"() ({
      %run_scoped3A = tpu.sem_alloc : memref<!tpu.dma_semaphore, #tpu.memory_space<semaphore_mem>>
      %dma_start3A_33 = arith.constant 0 : i32
      %dma_start3A_34 = tpu.memref_slice %arg4[%add3A_26, %dma_start3A_33] : memref<102400x128xf32, #tpu.memory_space<hbm>> -> memref<800x128xf32, #tpu.memory_space<hbm>>
      %dma_start3A_35 = arith.constant 0 : i32
      %dma_start3A_36 = tpu.memref_slice %arg4[%add3A_26, %dma_start3A_35] : memref<102400x128xf32, #tpu.memory_space<hbm>> -> memref<800x128xf32, #tpu.memory_space<hbm>>
      tpu.enqueue_dma source(%arg6 : memref<800x128xf32, #tpu.memory_space<vmem>>) target(%dma_start3A_36 : memref<800x128xf32, #tpu.memory_space<hbm>>) target_semaphore(%run_scoped3A : memref<!tpu.dma_semaphore, #tpu.memory_space<semaphore_mem>>)
      %dma_wait3A_37 = arith.constant 0 : i32
      %dma_wait3A_38 = tpu.memref_slice %arg4[%add3A_26, %dma_wait3A_37] : memref<102400x128xf32, #tpu.memory_space<hbm>> -> memref<800x128xf32, #tpu.memory_space<hbm>>
      %dma_wait3A_39 = arith.constant 0 : i32
      %dma_wait3A_40 = tpu.memref_slice %arg4[%add3A_26, %dma_wait3A_39] : memref<102400x128xf32, #tpu.memory_space<hbm>> -> memref<800x128xf32, #tpu.memory_space<hbm>>
      tpu.wait_dma2 semaphore(%run_scoped3A : memref<!tpu.dma_semaphore, #tpu.memory_space<semaphore_mem>>) src(%arg6 : memref<800x128xf32, #tpu.memory_space<vmem>>) dst(%dma_wait3A_40 : memref<800x128xf32, #tpu.memory_space<hbm>>)
      tpu.yield
    }) : () -> ()
    return
  }
}

module attributes {stable_mosaic.version = 14 : i64} {
  func.func @_topk_body(%arg0: i32, %arg1: i32, %arg2: memref<256x128xf32, #tpu.memory_space<vmem>>, %arg3: memref<2048x128xf32, #tpu.memory_space<vmem>>, %arg4: memref<256x10xf32, #tpu.memory_space<vmem>>, %arg5: memref<256x10xi32, #tpu.memory_space<vmem>>, %arg6: memref<256x16xf32, #tpu.memory_space<vmem>>, %arg7: memref<256x16xi32, #tpu.memory_space<vmem>>) attributes {dimension_semantics = [#tpu.dimension_semantics<parallel>, #tpu.dimension_semantics<arbitrary>], iteration_bounds = array<i64: 4, 49>, scalar_prefetch = 0 : i64, scratch_operands = 2 : i64, tpu.core_type = #tpu.core_type<tc>, window_params = [{transform_indices = @transform_0, window_bounds = array<i64: 256, 128>}, {transform_indices = @transform_1, window_bounds = array<i64: 2048, 128>}, {transform_indices = @transform_2, window_bounds = array<i64: 256, 10>}, {transform_indices = @transform_3, window_bounds = array<i64: 256, 10>}]} {
    %eq3A = arith.constant 0 : i32
    %eq3A_0 = arith.cmpi eq, %arg1, %eq3A : i32
    %convert_element_type3A = arith.extui %eq3A_0 : i1 to i32
    %cond3A = arith.constant 0 : i32
    %cond3A_1 = arith.cmpi ne, %convert_element_type3A, %cond3A : i32
    scf.if %cond3A_1 {
      %broadcast_in_dim3A_299 = arith.constant -1.700000e+38 : f32
      %broadcast_in_dim3A_300 = vector.broadcast %broadcast_in_dim3A_299 : f32 to vector<256x16xf32>
      %swap3A = arith.constant 0 : index
      %swap3A_301 = arith.constant 0 : index
      %swap3A_302 = vector.load %arg6[%swap3A, %swap3A_301] : memref<256x16xf32, #tpu.memory_space<vmem>>, vector<256x16xf32>
      tpu.vector_store %arg6[%swap3A, %swap3A_301], %broadcast_in_dim3A_300 {strides = array<i32>} : memref<256x16xf32, #tpu.memory_space<vmem>>, vector<256x16xf32>,
      %broadcast_in_dim3A_303 = arith.constant -1 : i32
      %broadcast_in_dim3A_304 = vector.broadcast %broadcast_in_dim3A_303 : i32 to vector<256x16xi32>
      %swap3A_305 = arith.constant 0 : index
      %swap3A_306 = arith.constant 0 : index
      %swap3A_307 = vector.load %arg7[%swap3A_305, %swap3A_306] : memref<256x16xi32, #tpu.memory_space<vmem>>, vector<256x16xi32>
      tpu.vector_store %arg7[%swap3A_305, %swap3A_306], %broadcast_in_dim3A_304 {strides = array<i32>} : memref<256x16xi32, #tpu.memory_space<vmem>>, vector<256x16xi32>,
    } else {
    }
    %get3A = arith.constant 0 : index
    %get3A_2 = arith.constant 0 : index
    %get3A_3 = vector.load %arg2[%get3A, %get3A_2] : memref<256x128xf32, #tpu.memory_space<vmem>>, vector<256x128xf32>
    %get3A_4 = arith.constant 0 : index
    %get3A_5 = arith.constant 0 : index
    %get3A_6 = vector.load %arg3[%get3A_4, %get3A_5] : memref<2048x128xf32, #tpu.memory_space<vmem>>, vector<2048x128xf32>
    %dot_general3A = arith.constant dense<0.000000e+00> : vector<256x2048xf32>
    %dot_general3A_7 = tpu.matmul %get3A_3, %get3A_6, %dot_general3A {dimension_numbers = #tpu.dot_dimension_numbers<[1], [1], [0], [0], [0, 0, 1, 0], [], []>, transpose_lhs_hint = false} : vector<256x128xf32>, vector<2048x128xf32>, vector<256x2048xf32> -> vector<256x2048xf32>
    %mul3A = arith.constant 2048 : i32
    %mul3A_8 = arith.muli %arg1, %mul3A : i32
    %iota3A = tpu.iota {dimensions = array<i32: 1>} : vector<256x2048xi32>
    %add3A = vector.broadcast %mul3A_8 : i32 to vector<256x2048xi32>
    %add3A_9 = arith.addi %add3A, %iota3A : vector<256x2048xi32>
    %lt3A = arith.constant 100000 : i32
    %lt3A_10 = vector.broadcast %lt3A : i32 to vector<256x2048xi32>
    %lt3A_11 = arith.cmpi slt, %add3A_9, %lt3A_10 : vector<256x2048xi32>
    %jit3A = arith.constant -1.700000e+38 : f32
    %broadcast_in_dim3A = vector.broadcast %jit3A : f32 to vector<256x2048xf32>
    %select_n3A = arith.select %lt3A_11, %dot_general3A_7, %broadcast_in_dim3A : vector<256x2048xi1>, vector<256x2048xf32>
    %reshape3A = vector.shape_cast %select_n3A : vector<256x2048xf32> to vector<256x16x128xf32>
    %iota3A_12 = tpu.iota {dimensions = array<i32: 1>} : vector<256x16x128xi32>
    %iota3A_13 = tpu.iota {dimensions = array<i32: 1>} : vector<256x128xi32>
    %mul3A_14 = arith.constant 2048 : i32
    %mul3A_15 = arith.muli %arg1, %mul3A_14 : i32
    %add3A_16 = vector.broadcast %mul3A_15 : i32 to vector<256x128xi32>
    %add3A_17 = arith.addi %add3A_16, %iota3A_13 : vector<256x128xi32>
    %reduce_max3A = arith.constant dense<0xFF800000> : vector<256x128xf32>
    %reduce_max3A_18 = vector.multi_reduction <maximumf>, %reshape3A, %reduce_max3A [1] : vector<256x16x128xf32> to vector<256x128xf32>
    %broadcast_in_dim3A_19 = vector.shape_cast %reduce_max3A_18 : vector<256x128xf32> to vector<256x1x128xf32>
    %eq3A_20 = vector.broadcast %broadcast_in_dim3A_19 : vector<256x1x128xf32> to vector<256x16x128xf32>
    %eq3A_21 = arith.cmpf oeq, %reshape3A, %eq3A_20 : vector<256x16x128xf32>
    %jit3A_22 = arith.constant 1073741824 : i32
    %broadcast_in_dim3A_23 = vector.broadcast %jit3A_22 : i32 to vector<256x16x128xi32>
    %select_n3A_24 = arith.select %eq3A_21, %iota3A_12, %broadcast_in_dim3A_23 : vector<256x16x128xi1>, vector<256x16x128xi32>
    %reduce_min3A = arith.constant dense<2147483647> : vector<256x128xi32>
    %reduce_min3A_25 = vector.multi_reduction <minsi>, %select_n3A_24, %reduce_min3A [1] : vector<256x16x128xi32> to vector<256x128xi32>
    %broadcast_in_dim3A_26 = vector.shape_cast %reduce_min3A_25 : vector<256x128xi32> to vector<256x1x128xi32>
    %eq3A_27 = vector.broadcast %broadcast_in_dim3A_26 : vector<256x1x128xi32> to vector<256x16x128xi32>
    %eq3A_28 = arith.cmpi eq, %iota3A_12, %eq3A_27 : vector<256x16x128xi32>
    %jit3A_29 = arith.constant -1.700000e+38 : f32
    %broadcast_in_dim3A_30 = vector.broadcast %jit3A_29 : f32 to vector<256x16x128xf32>
    %select_n3A_31 = arith.select %eq3A_28, %broadcast_in_dim3A_30, %reshape3A : vector<256x16x128xi1>, vector<256x16x128xf32>
    %reduce_max3A_32 = arith.constant dense<0xFF800000> : vector<256x128xf32>
    %reduce_max3A_33 = vector.multi_reduction <maximumf>, %select_n3A_31, %reduce_max3A_32 [1] : vector<256x16x128xf32> to vector<256x128xf32>
    %broadcast_in_dim3A_34 = vector.shape_cast %reduce_max3A_33 : vector<256x128xf32> to vector<256x1x128xf32>
    %eq3A_35 = vector.broadcast %broadcast_in_dim3A_34 : vector<256x1x128xf32> to vector<256x16x128xf32>
    %eq3A_36 = arith.cmpf oeq, %select_n3A_31, %eq3A_35 : vector<256x16x128xf32>
    %jit3A_37 = arith.constant 1073741824 : i32
    %broadcast_in_dim3A_38 = vector.broadcast %jit3A_37 : i32 to vector<256x16x128xi32>
    %select_n3A_39 = arith.select %eq3A_36, %iota3A_12, %broadcast_in_dim3A_38 : vector<256x16x128xi1>, vector<256x16x128xi32>
    %reduce_min3A_40 = arith.constant dense<2147483647> : vector<256x128xi32>
    %reduce_min3A_41 = vector.multi_reduction <minsi>, %select_n3A_39, %reduce_min3A_40 [1] : vector<256x16x128xi32> to vector<256x128xi32>
    %broadcast_in_dim3A_42 = vector.shape_cast %reduce_min3A_41 : vector<256x128xi32> to vector<256x1x128xi32>
    %eq3A_43 = vector.broadcast %broadcast_in_dim3A_42 : vector<256x1x128xi32> to vector<256x16x128xi32>
    %eq3A_44 = arith.cmpi eq, %iota3A_12, %eq3A_43 : vector<256x16x128xi32>
    %jit3A_45 = arith.constant -1.700000e+38 : f32
    %broadcast_in_dim3A_46 = vector.broadcast %jit3A_45 : f32 to vector<256x16x128xf32>
    %select_n3A_47 = arith.select %eq3A_44, %broadcast_in_dim3A_46, %select_n3A_31 : vector<256x16x128xi1>, vector<256x16x128xf32>
    %reduce_max3A_48 = arith.constant dense<0xFF800000> : vector<256x128xf32>
    %reduce_max3A_49 = vector.multi_reduction <maximumf>, %select_n3A_47, %reduce_max3A_48 [1] : vector<256x16x128xf32> to vector<256x128xf32>
    %broadcast_in_dim3A_50 = vector.shape_cast %reduce_max3A_49 : vector<256x128xf32> to vector<256x1x128xf32>
    %eq3A_51 = vector.broadcast %broadcast_in_dim3A_50 : vector<256x1x128xf32> to vector<256x16x128xf32>
    %eq3A_52 = arith.cmpf oeq, %select_n3A_47, %eq3A_51 : vector<256x16x128xf32>
    %jit3A_53 = arith.constant 1073741824 : i32
    %broadcast_in_dim3A_54 = vector.broadcast %jit3A_53 : i32 to vector<256x16x128xi32>
    %select_n3A_55 = arith.select %eq3A_52, %iota3A_12, %broadcast_in_dim3A_54 : vector<256x16x128xi1>, vector<256x16x128xi32>
    %reduce_min3A_56 = arith.constant dense<2147483647> : vector<256x128xi32>
    %reduce_min3A_57 = vector.multi_reduction <minsi>, %select_n3A_55, %reduce_min3A_56 [1] : vector<256x16x128xi32> to vector<256x128xi32>
    %broadcast_in_dim3A_58 = vector.shape_cast %reduce_min3A_57 : vector<256x128xi32> to vector<256x1x128xi32>
    %eq3A_59 = vector.broadcast %broadcast_in_dim3A_58 : vector<256x1x128xi32> to vector<256x16x128xi32>
    %eq3A_60 = arith.cmpi eq, %iota3A_12, %eq3A_59 : vector<256x16x128xi32>
    %jit3A_61 = arith.constant -1.700000e+38 : f32
    %broadcast_in_dim3A_62 = vector.broadcast %jit3A_61 : f32 to vector<256x16x128xf32>
    %select_n3A_63 = arith.select %eq3A_60, %broadcast_in_dim3A_62, %select_n3A_47 : vector<256x16x128xi1>, vector<256x16x128xf32>
    %reduce_max3A_64 = arith.constant dense<0xFF800000> : vector<256x128xf32>
    %reduce_max3A_65 = vector.multi_reduction <maximumf>, %select_n3A_63, %reduce_max3A_64 [1] : vector<256x16x128xf32> to vector<256x128xf32>
    %mul3A_66 = arith.constant 128 : i32
    %mul3A_67 = vector.broadcast %mul3A_66 : i32 to vector<256x128xi32>
    %mul3A_68 = arith.muli %reduce_min3A_25, %mul3A_67 : vector<256x128xi32>
    %add3A_69 = arith.addi %add3A_17, %mul3A_68 : vector<256x128xi32>
    %mul3A_70 = arith.constant 128 : i32
    %mul3A_71 = vector.broadcast %mul3A_70 : i32 to vector<256x128xi32>
    %mul3A_72 = arith.muli %reduce_min3A_41, %mul3A_71 : vector<256x128xi32>
    %add3A_73 = arith.addi %add3A_17, %mul3A_72 : vector<256x128xi32>
    %mul3A_74 = arith.constant 128 : i32
    %mul3A_75 = vector.broadcast %mul3A_74 : i32 to vector<256x128xi32>
    %mul3A_76 = arith.muli %reduce_min3A_57, %mul3A_75 : vector<256x128xi32>
    %add3A_77 = arith.addi %add3A_17, %mul3A_76 : vector<256x128xi32>
    %get3A_78 = arith.constant 0 : index
    %get3A_79 = arith.constant 0 : index
    %get3A_80 = vector.load %arg6[%get3A_78, %get3A_79] : memref<256x16xf32, #tpu.memory_space<vmem>>, vector<256x16xf32>
    %concatenate3A = tpu.concatenate %reduce_max3A_18, %reduce_max3A_33, %reduce_max3A_49, %get3A_80 in 1 : vector<256x128xf32>, vector<256x128xf32>, vector<256x128xf32>, vector<256x16xf32> -> vector<256x400xf32>
    %get3A_81 = arith.constant 0 : index
    %get3A_82 = arith.constant 0 : index
    %get3A_83 = vector.load %arg7[%get3A_81, %get3A_82] : memref<256x16xi32, #tpu.memory_space<vmem>>, vector<256x16xi32>
    %concatenate3A_84 = tpu.concatenate %add3A_69, %add3A_73, %add3A_77, %get3A_83 in 1 : vector<256x128xi32>, vector<256x128xi32>, vector<256x128xi32>, vector<256x16xi32> -> vector<256x400xi32>
    %reduce_max3A_85 = arith.constant dense<0xFF800000> : vector<256xf32>
    %reduce_max3A_86 = vector.multi_reduction <maximumf>, %concatenate3A, %reduce_max3A_85 [1] : vector<256x400xf32> to vector<256xf32>
    %broadcast_in_dim3A_87 = vector.shape_cast %reduce_max3A_86 : vector<256xf32> to vector<256x1xf32>
    %eq3A_88 = vector.broadcast %broadcast_in_dim3A_87 : vector<256x1xf32> to vector<256x400xf32>
    %eq3A_89 = arith.cmpf oeq, %concatenate3A, %eq3A_88 : vector<256x400xf32>
    %jit3A_90 = arith.constant 1073741824 : i32
    %broadcast_in_dim3A_91 = vector.broadcast %jit3A_90 : i32 to vector<256x400xi32>
    %select_n3A_92 = arith.select %eq3A_89, %concatenate3A_84, %broadcast_in_dim3A_91 : vector<256x400xi1>, vector<256x400xi32>
    %reduce_min3A_93 = arith.constant dense<2147483647> : vector<256xi32>
    %reduce_min3A_94 = vector.multi_reduction <minsi>, %select_n3A_92, %reduce_min3A_93 [1] : vector<256x400xi32> to vector<256xi32>
    %broadcast_in_dim3A_95 = vector.shape_cast %reduce_min3A_94 : vector<256xi32> to vector<256x1xi32>
    %eq3A_96 = vector.broadcast %broadcast_in_dim3A_95 : vector<256x1xi32> to vector<256x400xi32>
    %eq3A_97 = arith.cmpi eq, %concatenate3A_84, %eq3A_96 : vector<256x400xi32>
    %jit3A_98 = arith.constant -1.700000e+38 : f32
    %broadcast_in_dim3A_99 = vector.broadcast %jit3A_98 : f32 to vector<256x400xf32>
    %select_n3A_100 = arith.select %eq3A_97, %broadcast_in_dim3A_99, %concatenate3A : vector<256x400xi1>, vector<256x400xf32>
    %reduce_max3A_101 = arith.constant dense<0xFF800000> : vector<256xf32>
    %reduce_max3A_102 = vector.multi_reduction <maximumf>, %select_n3A_100, %reduce_max3A_101 [1] : vector<256x400xf32> to vector<256xf32>
    %broadcast_in_dim3A_103 = vector.shape_cast %reduce_max3A_102 : vector<256xf32> to vector<256x1xf32>
    %eq3A_104 = vector.broadcast %broadcast_in_dim3A_103 : vector<256x1xf32> to vector<256x400xf32>
    %eq3A_105 = arith.cmpf oeq, %select_n3A_100, %eq3A_104 : vector<256x400xf32>
    %jit3A_106 = arith.constant 1073741824 : i32
    %broadcast_in_dim3A_107 = vector.broadcast %jit3A_106 : i32 to vector<256x400xi32>
    %select_n3A_108 = arith.select %eq3A_105, %concatenate3A_84, %broadcast_in_dim3A_107 : vector<256x400xi1>, vector<256x400xi32>
    %reduce_min3A_109 = arith.constant dense<2147483647> : vector<256xi32>
    %reduce_min3A_110 = vector.multi_reduction <minsi>, %select_n3A_108, %reduce_min3A_109 [1] : vector<256x400xi32> to vector<256xi32>
    %broadcast_in_dim3A_111 = vector.shape_cast %reduce_min3A_110 : vector<256xi32> to vector<256x1xi32>
    %eq3A_112 = vector.broadcast %broadcast_in_dim3A_111 : vector<256x1xi32> to vector<256x400xi32>
    %eq3A_113 = arith.cmpi eq, %concatenate3A_84, %eq3A_112 : vector<256x400xi32>
    %jit3A_114 = arith.constant -1.700000e+38 : f32
    %broadcast_in_dim3A_115 = vector.broadcast %jit3A_114 : f32 to vector<256x400xf32>
    %select_n3A_116 = arith.select %eq3A_113, %broadcast_in_dim3A_115, %select_n3A_100 : vector<256x400xi1>, vector<256x400xf32>
    %reduce_max3A_117 = arith.constant dense<0xFF800000> : vector<256xf32>
    %reduce_max3A_118 = vector.multi_reduction <maximumf>, %select_n3A_116, %reduce_max3A_117 [1] : vector<256x400xf32> to vector<256xf32>
    %broadcast_in_dim3A_119 = vector.shape_cast %reduce_max3A_118 : vector<256xf32> to vector<256x1xf32>
    %eq3A_120 = vector.broadcast %broadcast_in_dim3A_119 : vector<256x1xf32> to vector<256x400xf32>
    %eq3A_121 = arith.cmpf oeq, %select_n3A_116, %eq3A_120 : vector<256x400xf32>
    %jit3A_122 = arith.constant 1073741824 : i32
    %broadcast_in_dim3A_123 = vector.broadcast %jit3A_122 : i32 to vector<256x400xi32>
    %select_n3A_124 = arith.select %eq3A_121, %concatenate3A_84, %broadcast_in_dim3A_123 : vector<256x400xi1>, vector<256x400xi32>
    %reduce_min3A_125 = arith.constant dense<2147483647> : vector<256xi32>
    %reduce_min3A_126 = vector.multi_reduction <minsi>, %select_n3A_124, %reduce_min3A_125 [1] : vector<256x400xi32> to vector<256xi32>
    %broadcast_in_dim3A_127 = vector.shape_cast %reduce_min3A_126 : vector<256xi32> to vector<256x1xi32>
    %eq3A_128 = vector.broadcast %broadcast_in_dim3A_127 : vector<256x1xi32> to vector<256x400xi32>
    %eq3A_129 = arith.cmpi eq, %concatenate3A_84, %eq3A_128 : vector<256x400xi32>
    %jit3A_130 = arith.constant -1.700000e+38 : f32
    %broadcast_in_dim3A_131 = vector.broadcast %jit3A_130 : f32 to vector<256x400xf32>
    %select_n3A_132 = arith.select %eq3A_129, %broadcast_in_dim3A_131, %select_n3A_116 : vector<256x400xi1>, vector<256x400xf32>
    %reduce_max3A_133 = arith.constant dense<0xFF800000> : vector<256xf32>
    %reduce_max3A_134 = vector.multi_reduction <maximumf>, %select_n3A_132, %reduce_max3A_133 [1] : vector<256x400xf32> to vector<256xf32>
    %broadcast_in_dim3A_135 = vector.shape_cast %reduce_max3A_134 : vector<256xf32> to vector<256x1xf32>
    %eq3A_136 = vector.broadcast %broadcast_in_dim3A_135 : vector<256x1xf32> to vector<256x400xf32>
    %eq3A_137 = arith.cmpf oeq, %select_n3A_132, %eq3A_136 : vector<256x400xf32>
    %jit3A_138 = arith.constant 1073741824 : i32
    %broadcast_in_dim3A_139 = vector.broadcast %jit3A_138 : i32 to vector<256x400xi32>
    %select_n3A_140 = arith.select %eq3A_137, %concatenate3A_84, %broadcast_in_dim3A_139 : vector<256x400xi1>, vector<256x400xi32>
    %reduce_min3A_141 = arith.constant dense<2147483647> : vector<256xi32>
    %reduce_min3A_142 = vector.multi_reduction <minsi>, %select_n3A_140, %reduce_min3A_141 [1] : vector<256x400xi32> to vector<256xi32>
    %broadcast_in_dim3A_143 = vector.shape_cast %reduce_min3A_142 : vector<256xi32> to vector<256x1xi32>
    %eq3A_144 = vector.broadcast %broadcast_in_dim3A_143 : vector<256x1xi32> to vector<256x400xi32>
    %eq3A_145 = arith.cmpi eq, %concatenate3A_84, %eq3A_144 : vector<256x400xi32>
    %jit3A_146 = arith.constant -1.700000e+38 : f32
    %broadcast_in_dim3A_147 = vector.broadcast %jit3A_146 : f32 to vector<256x400xf32>
    %select_n3A_148 = arith.select %eq3A_145, %broadcast_in_dim3A_147, %select_n3A_132 : vector<256x400xi1>, vector<256x400xf32>
    %reduce_max3A_149 = arith.constant dense<0xFF800000> : vector<256xf32>
    %reduce_max3A_150 = vector.multi_reduction <maximumf>, %select_n3A_148, %reduce_max3A_149 [1] : vector<256x400xf32> to vector<256xf32>
    %broadcast_in_dim3A_151 = vector.shape_cast %reduce_max3A_150 : vector<256xf32> to vector<256x1xf32>
    %eq3A_152 = vector.broadcast %broadcast_in_dim3A_151 : vector<256x1xf32> to vector<256x400xf32>
    %eq3A_153 = arith.cmpf oeq, %select_n3A_148, %eq3A_152 : vector<256x400xf32>
    %jit3A_154 = arith.constant 1073741824 : i32
    %broadcast_in_dim3A_155 = vector.broadcast %jit3A_154 : i32 to vector<256x400xi32>
    %select_n3A_156 = arith.select %eq3A_153, %concatenate3A_84, %broadcast_in_dim3A_155 : vector<256x400xi1>, vector<256x400xi32>
    %reduce_min3A_157 = arith.constant dense<2147483647> : vector<256xi32>
    %reduce_min3A_158 = vector.multi_reduction <minsi>, %select_n3A_156, %reduce_min3A_157 [1] : vector<256x400xi32> to vector<256xi32>
    %broadcast_in_dim3A_159 = vector.shape_cast %reduce_min3A_158 : vector<256xi32> to vector<256x1xi32>
    %eq3A_160 = vector.broadcast %broadcast_in_dim3A_159 : vector<256x1xi32> to vector<256x400xi32>
    %eq3A_161 = arith.cmpi eq, %concatenate3A_84, %eq3A_160 : vector<256x400xi32>
    %jit3A_162 = arith.constant -1.700000e+38 : f32
    %broadcast_in_dim3A_163 = vector.broadcast %jit3A_162 : f32 to vector<256x400xf32>
    %select_n3A_164 = arith.select %eq3A_161, %broadcast_in_dim3A_163, %select_n3A_148 : vector<256x400xi1>, vector<256x400xf32>
    %reduce_max3A_165 = arith.constant dense<0xFF800000> : vector<256xf32>
    %reduce_max3A_166 = vector.multi_reduction <maximumf>, %select_n3A_164, %reduce_max3A_165 [1] : vector<256x400xf32> to vector<256xf32>
    %broadcast_in_dim3A_167 = vector.shape_cast %reduce_max3A_166 : vector<256xf32> to vector<256x1xf32>
    %eq3A_168 = vector.broadcast %broadcast_in_dim3A_167 : vector<256x1xf32> to vector<256x400xf32>
    %eq3A_169 = arith.cmpf oeq, %select_n3A_164, %eq3A_168 : vector<256x400xf32>
    %jit3A_170 = arith.constant 1073741824 : i32
    %broadcast_in_dim3A_171 = vector.broadcast %jit3A_170 : i32 to vector<256x400xi32>
    %select_n3A_172 = arith.select %eq3A_169, %concatenate3A_84, %broadcast_in_dim3A_171 : vector<256x400xi1>, vector<256x400xi32>
    %reduce_min3A_173 = arith.constant dense<2147483647> : vector<256xi32>
    %reduce_min3A_174 = vector.multi_reduction <minsi>, %select_n3A_172, %reduce_min3A_173 [1] : vector<256x400xi32> to vector<256xi32>
    %broadcast_in_dim3A_175 = vector.shape_cast %reduce_min3A_174 : vector<256xi32> to vector<256x1xi32>
    %eq3A_176 = vector.broadcast %broadcast_in_dim3A_175 : vector<256x1xi32> to vector<256x400xi32>
    %eq3A_177 = arith.cmpi eq, %concatenate3A_84, %eq3A_176 : vector<256x400xi32>
    %jit3A_178 = arith.constant -1.700000e+38 : f32
    %broadcast_in_dim3A_179 = vector.broadcast %jit3A_178 : f32 to vector<256x400xf32>
    %select_n3A_180 = arith.select %eq3A_177, %broadcast_in_dim3A_179, %select_n3A_164 : vector<256x400xi1>, vector<256x400xf32>
    %reduce_max3A_181 = arith.constant dense<0xFF800000> : vector<256xf32>
    %reduce_max3A_182 = vector.multi_reduction <maximumf>, %select_n3A_180, %reduce_max3A_181 [1] : vector<256x400xf32> to vector<256xf32>
    %broadcast_in_dim3A_183 = vector.shape_cast %reduce_max3A_182 : vector<256xf32> to vector<256x1xf32>
    %eq3A_184 = vector.broadcast %broadcast_in_dim3A_183 : vector<256x1xf32> to vector<256x400xf32>
    %eq3A_185 = arith.cmpf oeq, %select_n3A_180, %eq3A_184 : vector<256x400xf32>
    %jit3A_186 = arith.constant 1073741824 : i32
    %broadcast_in_dim3A_187 = vector.broadcast %jit3A_186 : i32 to vector<256x400xi32>
    %select_n3A_188 = arith.select %eq3A_185, %concatenate3A_84, %broadcast_in_dim3A_187 : vector<256x400xi1>, vector<256x400xi32>
    %reduce_min3A_189 = arith.constant dense<2147483647> : vector<256xi32>
    %reduce_min3A_190 = vector.multi_reduction <minsi>, %select_n3A_188, %reduce_min3A_189 [1] : vector<256x400xi32> to vector<256xi32>
    %broadcast_in_dim3A_191 = vector.shape_cast %reduce_min3A_190 : vector<256xi32> to vector<256x1xi32>
    %eq3A_192 = vector.broadcast %broadcast_in_dim3A_191 : vector<256x1xi32> to vector<256x400xi32>
    %eq3A_193 = arith.cmpi eq, %concatenate3A_84, %eq3A_192 : vector<256x400xi32>
    %jit3A_194 = arith.constant -1.700000e+38 : f32
    %broadcast_in_dim3A_195 = vector.broadcast %jit3A_194 : f32 to vector<256x400xf32>
    %select_n3A_196 = arith.select %eq3A_193, %broadcast_in_dim3A_195, %select_n3A_180 : vector<256x400xi1>, vector<256x400xf32>
    %reduce_max3A_197 = arith.constant dense<0xFF800000> : vector<256xf32>
    %reduce_max3A_198 = vector.multi_reduction <maximumf>, %select_n3A_196, %reduce_max3A_197 [1] : vector<256x400xf32> to vector<256xf32>
    %broadcast_in_dim3A_199 = vector.shape_cast %reduce_max3A_198 : vector<256xf32> to vector<256x1xf32>
    %eq3A_200 = vector.broadcast %broadcast_in_dim3A_199 : vector<256x1xf32> to vector<256x400xf32>
    %eq3A_201 = arith.cmpf oeq, %select_n3A_196, %eq3A_200 : vector<256x400xf32>
    %jit3A_202 = arith.constant 1073741824 : i32
    %broadcast_in_dim3A_203 = vector.broadcast %jit3A_202 : i32 to vector<256x400xi32>
    %select_n3A_204 = arith.select %eq3A_201, %concatenate3A_84, %broadcast_in_dim3A_203 : vector<256x400xi1>, vector<256x400xi32>
    %reduce_min3A_205 = arith.constant dense<2147483647> : vector<256xi32>
    %reduce_min3A_206 = vector.multi_reduction <minsi>, %select_n3A_204, %reduce_min3A_205 [1] : vector<256x400xi32> to vector<256xi32>
    %broadcast_in_dim3A_207 = vector.shape_cast %reduce_min3A_206 : vector<256xi32> to vector<256x1xi32>
    %eq3A_208 = vector.broadcast %broadcast_in_dim3A_207 : vector<256x1xi32> to vector<256x400xi32>
    %eq3A_209 = arith.cmpi eq, %concatenate3A_84, %eq3A_208 : vector<256x400xi32>
    %jit3A_210 = arith.constant -1.700000e+38 : f32
    %broadcast_in_dim3A_211 = vector.broadcast %jit3A_210 : f32 to vector<256x400xf32>
    %select_n3A_212 = arith.select %eq3A_209, %broadcast_in_dim3A_211, %select_n3A_196 : vector<256x400xi1>, vector<256x400xf32>
    %reduce_max3A_213 = arith.constant dense<0xFF800000> : vector<256xf32>
    %reduce_max3A_214 = vector.multi_reduction <maximumf>, %select_n3A_212, %reduce_max3A_213 [1] : vector<256x400xf32> to vector<256xf32>
    %broadcast_in_dim3A_215 = vector.shape_cast %reduce_max3A_214 : vector<256xf32> to vector<256x1xf32>
    %eq3A_216 = vector.broadcast %broadcast_in_dim3A_215 : vector<256x1xf32> to vector<256x400xf32>
    %eq3A_217 = arith.cmpf oeq, %select_n3A_212, %eq3A_216 : vector<256x400xf32>
    %jit3A_218 = arith.constant 1073741824 : i32
    %broadcast_in_dim3A_219 = vector.broadcast %jit3A_218 : i32 to vector<256x400xi32>
    %select_n3A_220 = arith.select %eq3A_217, %concatenate3A_84, %broadcast_in_dim3A_219 : vector<256x400xi1>, vector<256x400xi32>
    %reduce_min3A_221 = arith.constant dense<2147483647> : vector<256xi32>
    %reduce_min3A_222 = vector.multi_reduction <minsi>, %select_n3A_220, %reduce_min3A_221 [1] : vector<256x400xi32> to vector<256xi32>
    %broadcast_in_dim3A_223 = vector.shape_cast %reduce_min3A_222 : vector<256xi32> to vector<256x1xi32>
    %eq3A_224 = vector.broadcast %broadcast_in_dim3A_223 : vector<256x1xi32> to vector<256x400xi32>
    %eq3A_225 = arith.cmpi eq, %concatenate3A_84, %eq3A_224 : vector<256x400xi32>
    %jit3A_226 = arith.constant -1.700000e+38 : f32
    %broadcast_in_dim3A_227 = vector.broadcast %jit3A_226 : f32 to vector<256x400xf32>
    %select_n3A_228 = arith.select %eq3A_225, %broadcast_in_dim3A_227, %select_n3A_212 : vector<256x400xi1>, vector<256x400xf32>
    %reduce_max3A_229 = arith.constant dense<0xFF800000> : vector<256xf32>
    %reduce_max3A_230 = vector.multi_reduction <maximumf>, %select_n3A_228, %reduce_max3A_229 [1] : vector<256x400xf32> to vector<256xf32>
    %broadcast_in_dim3A_231 = vector.shape_cast %reduce_max3A_230 : vector<256xf32> to vector<256x1xf32>
    %eq3A_232 = vector.broadcast %broadcast_in_dim3A_231 : vector<256x1xf32> to vector<256x400xf32>
    %eq3A_233 = arith.cmpf oeq, %select_n3A_228, %eq3A_232 : vector<256x400xf32>
    %jit3A_234 = arith.constant 1073741824 : i32
    %broadcast_in_dim3A_235 = vector.broadcast %jit3A_234 : i32 to vector<256x400xi32>
    %select_n3A_236 = arith.select %eq3A_233, %concatenate3A_84, %broadcast_in_dim3A_235 : vector<256x400xi1>, vector<256x400xi32>
    %reduce_min3A_237 = arith.constant dense<2147483647> : vector<256xi32>
    %reduce_min3A_238 = vector.multi_reduction <minsi>, %select_n3A_236, %reduce_min3A_237 [1] : vector<256x400xi32> to vector<256xi32>
    %broadcast_in_dim3A_239 = vector.shape_cast %reduce_min3A_238 : vector<256xi32> to vector<256x1xi32>
    %eq3A_240 = vector.broadcast %broadcast_in_dim3A_239 : vector<256x1xi32> to vector<256x400xi32>
    %eq3A_241 = arith.cmpi eq, %concatenate3A_84, %eq3A_240 : vector<256x400xi32>
    %jit3A_242 = arith.constant -1.700000e+38 : f32
    %broadcast_in_dim3A_243 = vector.broadcast %jit3A_242 : f32 to vector<256x400xf32>
    %select_n3A_244 = arith.select %eq3A_241, %broadcast_in_dim3A_243, %select_n3A_228 : vector<256x400xi1>, vector<256x400xf32>
    %slice3A = vector.extract_strided_slice %select_n3A_244 {offsets = [0, 0], sizes = [256, 128], strides = [1, 1]} : vector<256x400xf32> to vector<256x128xf32>
    %eq3A_245 = arith.constant -1.700000e+38 : f32
    %eq3A_246 = vector.broadcast %eq3A_245 : f32 to vector<256x128xf32>
    %eq3A_247 = arith.cmpf oeq, %slice3A, %eq3A_246 : vector<256x128xf32>
    %ne3A = arith.constant -1.700000e+38 : f32
    %ne3A_248 = vector.broadcast %ne3A : f32 to vector<256x128xf32>
    %ne3A_249 = arith.cmpf one, %reduce_max3A_18, %ne3A_248 : vector<256x128xf32>
    %and3A = arith.andi %eq3A_247, %ne3A_249 : vector<256x128xi1>
    %slice3A_250 = vector.extract_strided_slice %select_n3A_244 {offsets = [0, 128], sizes = [256, 128], strides = [1, 1]} : vector<256x400xf32> to vector<256x128xf32>
    %eq3A_251 = arith.constant -1.700000e+38 : f32
    %eq3A_252 = vector.broadcast %eq3A_251 : f32 to vector<256x128xf32>
    %eq3A_253 = arith.cmpf oeq, %slice3A_250, %eq3A_252 : vector<256x128xf32>
    %and3A_254 = arith.andi %and3A, %eq3A_253 : vector<256x128xi1>
    %ne3A_255 = arith.constant -1.700000e+38 : f32
    %ne3A_256 = vector.broadcast %ne3A_255 : f32 to vector<256x128xf32>
    %ne3A_257 = arith.cmpf one, %reduce_max3A_33, %ne3A_256 : vector<256x128xf32>
    %and3A_258 = arith.andi %and3A_254, %ne3A_257 : vector<256x128xi1>
    %slice3A_259 = vector.extract_strided_slice %select_n3A_244 {offsets = [0, 256], sizes = [256, 128], strides = [1, 1]} : vector<256x400xf32> to vector<256x128xf32>
    %eq3A_260 = arith.constant -1.700000e+38 : f32
    %eq3A_261 = vector.broadcast %eq3A_260 : f32 to vector<256x128xf32>
    %eq3A_262 = arith.cmpf oeq, %slice3A_259, %eq3A_261 : vector<256x128xf32>
    %and3A_263 = arith.andi %and3A_258, %eq3A_262 : vector<256x128xi1>
    %ne3A_264 = arith.constant -1.700000e+38 : f32
    %ne3A_265 = vector.broadcast %ne3A_264 : f32 to vector<256x128xf32>
    %ne3A_266 = arith.cmpf one, %reduce_max3A_49, %ne3A_265 : vector<256x128xf32>
    %and3A_267 = arith.andi %and3A_263, %ne3A_266 : vector<256x128xi1>
    %ge3A = vector.broadcast %broadcast_in_dim3A_231 : vector<256x1xf32> to vector<256x128xf32>
    %ge3A_268 = arith.cmpf oge, %reduce_max3A_65, %ge3A : vector<256x128xf32>
    %and3A_269 = arith.andi %and3A_267, %ge3A_268 : vector<256x128xi1>
    %jit3A_270 = arith.constant 1 : i32
    %jit3A_271 = arith.constant 0 : i32
    %broadcast_in_dim3A_272 = vector.broadcast %jit3A_270 : i32 to vector<256x128xi32>
    %broadcast_in_dim3A_273 = vector.broadcast %jit3A_271 : i32 to vector<256x128xi32>
    %select_n3A_274 = arith.select %and3A_269, %broadcast_in_dim3A_272, %broadcast_in_dim3A_273 : vector<256x128xi1>, vector<256x128xi32>
    %reduce_max3A_275 = vector.shape_cast %select_n3A_274 : vector<256x128xi32> to vector<1x256x128xi32>
    %reduce_max3A_276 = arith.constant dense<-2147483648> : vector<1xi32>
    %reduce_max3A_277 = vector.multi_reduction <maxsi>, %reduce_max3A_275, %reduce_max3A_276 [1, 2] : vector<1x256x128xi32> to vector<1xi32>
    %reduce_max3A_278 = vector.shape_cast %reduce_max3A_277 : vector<1xi32> to vector<1x1x1xi32>
    %reduce_max3A_279 = vector.extract %reduce_max3A_278[0, 0, 0] : i32 from vector<1x1x1xi32>
    %broadcast_in_dim3A_280 = arith.constant -1.700000e+38 : f32
    %broadcast_in_dim3A_281 = vector.broadcast %broadcast_in_dim3A_280 : f32 to vector<256x6xf32>
    %broadcast_in_dim3A_282 = arith.constant -1 : i32
    %broadcast_in_dim3A_283 = vector.broadcast %broadcast_in_dim3A_282 : i32 to vector<256x6xi32>
    %eq3A_284 = arith.constant 0 : i32
    %eq3A_285 = arith.cmpi eq, %reduce_max3A_279, %eq3A_284 : i32
    %convert_element_type3A_286 = arith.extui %eq3A_285 : i1 to i32
    %cond3A_287 = arith.constant 0 : i32
    %cond3A_288 = arith.cmpi ne, %convert_element_type3A_286, %cond3A_287 : i32
    scf.if %cond3A_288 {
      %concatenate3A_299 = tpu.concatenate %broadcast_in_dim3A_87, %broadcast_in_dim3A_103, %broadcast_in_dim3A_119, %broadcast_in_dim3A_135, %broadcast_in_dim3A_151, %broadcast_in_dim3A_167, %broadcast_in_dim3A_183, %broadcast_in_dim3A_199, %broadcast_in_dim3A_215, %broadcast_in_dim3A_231, %broadcast_in_dim3A_281 in 1 : vector<256x1xf32>, vector<256x1xf32>, vector<256x1xf32>, vector<256x1xf32>, vector<256x1xf32>, vector<256x1xf32>, vector<256x1xf32>, vector<256x1xf32>, vector<256x1xf32>, vector<256x1xf32>, vector<256x6xf32> -> vector<256x16xf32>
      %swap3A = arith.constant 0 : index
      %swap3A_300 = arith.constant 0 : index
      %swap3A_301 = vector.load %arg6[%swap3A, %swap3A_300] : memref<256x16xf32, #tpu.memory_space<vmem>>, vector<256x16xf32>
      tpu.vector_store %arg6[%swap3A, %swap3A_300], %concatenate3A_299 {strides = array<i32>} : memref<256x16xf32, #tpu.memory_space<vmem>>, vector<256x16xf32>,
      %concatenate3A_302 = tpu.concatenate %broadcast_in_dim3A_95, %broadcast_in_dim3A_111, %broadcast_in_dim3A_127, %broadcast_in_dim3A_143, %broadcast_in_dim3A_159, %broadcast_in_dim3A_175, %broadcast_in_dim3A_191, %broadcast_in_dim3A_207, %broadcast_in_dim3A_223, %broadcast_in_dim3A_239, %broadcast_in_dim3A_283 in 1 : vector<256x1xi32>, vector<256x1xi32>, vector<256x1xi32>, vector<256x1xi32>, vector<256x1xi32>, vector<256x1xi32>, vector<256x1xi32>, vector<256x1xi32>, vector<256x1xi32>, vector<256x1xi32>, vector<256x6xi32> -> vector<256x16xi32>
      %swap3A_303 = arith.constant 0 : index
      %swap3A_304 = arith.constant 0 : index
      %swap3A_305 = vector.load %arg7[%swap3A_303, %swap3A_304] : memref<256x16xi32, #tpu.memory_space<vmem>>, vector<256x16xi32>
      tpu.vector_store %arg7[%swap3A_303, %swap3A_304], %concatenate3A_302 {strides = array<i32>} : memref<256x16xi32, #tpu.memory_space<vmem>>, vector<256x16xi32>,
    } else {
    }
    %ne3A_289 = arith.constant 0 : i32
    %ne3A_290 = arith.cmpi ne, %reduce_max3A_279, %ne3A_289 : i32
    %convert_element_type3A_291 = arith.extui %ne3A_290 : i1 to i32
    %cond3A_292 = arith.constant 0 : i32
    %cond3A_293 = arith.cmpi ne, %convert_element_type3A_291, %cond3A_292 : i32
    scf.if %cond3A_293 {
      %get3A_299 = arith.constant 0 : index
      %get3A_300 = arith.constant 0 : index
      %get3A_301 = vector.load %arg6[%get3A_299, %get3A_300] : memref<256x16xf32, #tpu.memory_space<vmem>>, vector<256x16xf32>
      %concatenate3A_302 = tpu.concatenate %select_n3A, %get3A_301 in 1 : vector<256x2048xf32>, vector<256x16xf32> -> vector<256x2064xf32>
      %get3A_303 = arith.constant 0 : index
      %get3A_304 = arith.constant 0 : index
      %get3A_305 = vector.load %arg7[%get3A_303, %get3A_304] : memref<256x16xi32, #tpu.memory_space<vmem>>, vector<256x16xi32>
      %concatenate3A_306 = tpu.concatenate %add3A_9, %get3A_305 in 1 : vector<256x2048xi32>, vector<256x16xi32> -> vector<256x2064xi32>
      %reduce_max3A_307 = arith.constant dense<0xFF800000> : vector<256xf32>
      %reduce_max3A_308 = vector.multi_reduction <maximumf>, %concatenate3A_302, %reduce_max3A_307 [1] : vector<256x2064xf32> to vector<256xf32>
      %broadcast_in_dim3A_309 = vector.shape_cast %reduce_max3A_308 : vector<256xf32> to vector<256x1xf32>
      %eq3A_310 = vector.broadcast %broadcast_in_dim3A_309 : vector<256x1xf32> to vector<256x2064xf32>
      %eq3A_311 = arith.cmpf oeq, %concatenate3A_302, %eq3A_310 : vector<256x2064xf32>
      %jit3A_312 = arith.constant 1073741824 : i32
      %broadcast_in_dim3A_313 = vector.broadcast %jit3A_312 : i32 to vector<256x2064xi32>
      %select_n3A_314 = arith.select %eq3A_311, %concatenate3A_306, %broadcast_in_dim3A_313 : vector<256x2064xi1>, vector<256x2064xi32>
      %reduce_min3A_315 = arith.constant dense<2147483647> : vector<256xi32>
      %reduce_min3A_316 = vector.multi_reduction <minsi>, %select_n3A_314, %reduce_min3A_315 [1] : vector<256x2064xi32> to vector<256xi32>
      %broadcast_in_dim3A_317 = vector.shape_cast %reduce_min3A_316 : vector<256xi32> to vector<256x1xi32>
      %eq3A_318 = vector.broadcast %broadcast_in_dim3A_317 : vector<256x1xi32> to vector<256x2064xi32>
      %eq3A_319 = arith.cmpi eq, %concatenate3A_306, %eq3A_318 : vector<256x2064xi32>
      %jit3A_320 = arith.constant -1.700000e+38 : f32
      %broadcast_in_dim3A_321 = vector.broadcast %jit3A_320 : f32 to vector<256x2064xf32>
      %select_n3A_322 = arith.select %eq3A_319, %broadcast_in_dim3A_321, %concatenate3A_302 : vector<256x2064xi1>, vector<256x2064xf32>
      %reduce_max3A_323 = arith.constant dense<0xFF800000> : vector<256xf32>
      %reduce_max3A_324 = vector.multi_reduction <maximumf>, %select_n3A_322, %reduce_max3A_323 [1] : vector<256x2064xf32> to vector<256xf32>
      %broadcast_in_dim3A_325 = vector.shape_cast %reduce_max3A_324 : vector<256xf32> to vector<256x1xf32>
      %eq3A_326 = vector.broadcast %broadcast_in_dim3A_325 : vector<256x1xf32> to vector<256x2064xf32>
      %eq3A_327 = arith.cmpf oeq, %select_n3A_322, %eq3A_326 : vector<256x2064xf32>
      %jit3A_328 = arith.constant 1073741824 : i32
      %broadcast_in_dim3A_329 = vector.broadcast %jit3A_328 : i32 to vector<256x2064xi32>
      %select_n3A_330 = arith.select %eq3A_327, %concatenate3A_306, %broadcast_in_dim3A_329 : vector<256x2064xi1>, vector<256x2064xi32>
      %reduce_min3A_331 = arith.constant dense<2147483647> : vector<256xi32>
      %reduce_min3A_332 = vector.multi_reduction <minsi>, %select_n3A_330, %reduce_min3A_331 [1] : vector<256x2064xi32> to vector<256xi32>
      %broadcast_in_dim3A_333 = vector.shape_cast %reduce_min3A_332 : vector<256xi32> to vector<256x1xi32>
      %eq3A_334 = vector.broadcast %broadcast_in_dim3A_333 : vector<256x1xi32> to vector<256x2064xi32>
      %eq3A_335 = arith.cmpi eq, %concatenate3A_306, %eq3A_334 : vector<256x2064xi32>
      %jit3A_336 = arith.constant -1.700000e+38 : f32
      %broadcast_in_dim3A_337 = vector.broadcast %jit3A_336 : f32 to vector<256x2064xf32>
      %select_n3A_338 = arith.select %eq3A_335, %broadcast_in_dim3A_337, %select_n3A_322 : vector<256x2064xi1>, vector<256x2064xf32>
      %reduce_max3A_339 = arith.constant dense<0xFF800000> : vector<256xf32>
      %reduce_max3A_340 = vector.multi_reduction <maximumf>, %select_n3A_338, %reduce_max3A_339 [1] : vector<256x2064xf32> to vector<256xf32>
      %broadcast_in_dim3A_341 = vector.shape_cast %reduce_max3A_340 : vector<256xf32> to vector<256x1xf32>
      %eq3A_342 = vector.broadcast %broadcast_in_dim3A_341 : vector<256x1xf32> to vector<256x2064xf32>
      %eq3A_343 = arith.cmpf oeq, %select_n3A_338, %eq3A_342 : vector<256x2064xf32>
      %jit3A_344 = arith.constant 1073741824 : i32
      %broadcast_in_dim3A_345 = vector.broadcast %jit3A_344 : i32 to vector<256x2064xi32>
      %select_n3A_346 = arith.select %eq3A_343, %concatenate3A_306, %broadcast_in_dim3A_345 : vector<256x2064xi1>, vector<256x2064xi32>
      %reduce_min3A_347 = arith.constant dense<2147483647> : vector<256xi32>
      %reduce_min3A_348 = vector.multi_reduction <minsi>, %select_n3A_346, %reduce_min3A_347 [1] : vector<256x2064xi32> to vector<256xi32>
      %broadcast_in_dim3A_349 = vector.shape_cast %reduce_min3A_348 : vector<256xi32> to vector<256x1xi32>
      %eq3A_350 = vector.broadcast %broadcast_in_dim3A_349 : vector<256x1xi32> to vector<256x2064xi32>
      %eq3A_351 = arith.cmpi eq, %concatenate3A_306, %eq3A_350 : vector<256x2064xi32>
      %jit3A_352 = arith.constant -1.700000e+38 : f32
      %broadcast_in_dim3A_353 = vector.broadcast %jit3A_352 : f32 to vector<256x2064xf32>
      %select_n3A_354 = arith.select %eq3A_351, %broadcast_in_dim3A_353, %select_n3A_338 : vector<256x2064xi1>, vector<256x2064xf32>
      %reduce_max3A_355 = arith.constant dense<0xFF800000> : vector<256xf32>
      %reduce_max3A_356 = vector.multi_reduction <maximumf>, %select_n3A_354, %reduce_max3A_355 [1] : vector<256x2064xf32> to vector<256xf32>
      %broadcast_in_dim3A_357 = vector.shape_cast %reduce_max3A_356 : vector<256xf32> to vector<256x1xf32>
      %eq3A_358 = vector.broadcast %broadcast_in_dim3A_357 : vector<256x1xf32> to vector<256x2064xf32>
      %eq3A_359 = arith.cmpf oeq, %select_n3A_354, %eq3A_358 : vector<256x2064xf32>
      %jit3A_360 = arith.constant 1073741824 : i32
      %broadcast_in_dim3A_361 = vector.broadcast %jit3A_360 : i32 to vector<256x2064xi32>
      %select_n3A_362 = arith.select %eq3A_359, %concatenate3A_306, %broadcast_in_dim3A_361 : vector<256x2064xi1>, vector<256x2064xi32>
      %reduce_min3A_363 = arith.constant dense<2147483647> : vector<256xi32>
      %reduce_min3A_364 = vector.multi_reduction <minsi>, %select_n3A_362, %reduce_min3A_363 [1] : vector<256x2064xi32> to vector<256xi32>
      %broadcast_in_dim3A_365 = vector.shape_cast %reduce_min3A_364 : vector<256xi32> to vector<256x1xi32>
      %eq3A_366 = vector.broadcast %broadcast_in_dim3A_365 : vector<256x1xi32> to vector<256x2064xi32>
      %eq3A_367 = arith.cmpi eq, %concatenate3A_306, %eq3A_366 : vector<256x2064xi32>
      %jit3A_368 = arith.constant -1.700000e+38 : f32
      %broadcast_in_dim3A_369 = vector.broadcast %jit3A_368 : f32 to vector<256x2064xf32>
      %select_n3A_370 = arith.select %eq3A_367, %broadcast_in_dim3A_369, %select_n3A_354 : vector<256x2064xi1>, vector<256x2064xf32>
      %reduce_max3A_371 = arith.constant dense<0xFF800000> : vector<256xf32>
      %reduce_max3A_372 = vector.multi_reduction <maximumf>, %select_n3A_370, %reduce_max3A_371 [1] : vector<256x2064xf32> to vector<256xf32>
      %broadcast_in_dim3A_373 = vector.shape_cast %reduce_max3A_372 : vector<256xf32> to vector<256x1xf32>
      %eq3A_374 = vector.broadcast %broadcast_in_dim3A_373 : vector<256x1xf32> to vector<256x2064xf32>
      %eq3A_375 = arith.cmpf oeq, %select_n3A_370, %eq3A_374 : vector<256x2064xf32>
      %jit3A_376 = arith.constant 1073741824 : i32
      %broadcast_in_dim3A_377 = vector.broadcast %jit3A_376 : i32 to vector<256x2064xi32>
      %select_n3A_378 = arith.select %eq3A_375, %concatenate3A_306, %broadcast_in_dim3A_377 : vector<256x2064xi1>, vector<256x2064xi32>
      %reduce_min3A_379 = arith.constant dense<2147483647> : vector<256xi32>
      %reduce_min3A_380 = vector.multi_reduction <minsi>, %select_n3A_378, %reduce_min3A_379 [1] : vector<256x2064xi32> to vector<256xi32>
      %broadcast_in_dim3A_381 = vector.shape_cast %reduce_min3A_380 : vector<256xi32> to vector<256x1xi32>
      %eq3A_382 = vector.broadcast %broadcast_in_dim3A_381 : vector<256x1xi32> to vector<256x2064xi32>
      %eq3A_383 = arith.cmpi eq, %concatenate3A_306, %eq3A_382 : vector<256x2064xi32>
      %jit3A_384 = arith.constant -1.700000e+38 : f32
      %broadcast_in_dim3A_385 = vector.broadcast %jit3A_384 : f32 to vector<256x2064xf32>
      %select_n3A_386 = arith.select %eq3A_383, %broadcast_in_dim3A_385, %select_n3A_370 : vector<256x2064xi1>, vector<256x2064xf32>
      %reduce_max3A_387 = arith.constant dense<0xFF800000> : vector<256xf32>
      %reduce_max3A_388 = vector.multi_reduction <maximumf>, %select_n3A_386, %reduce_max3A_387 [1] : vector<256x2064xf32> to vector<256xf32>
      %broadcast_in_dim3A_389 = vector.shape_cast %reduce_max3A_388 : vector<256xf32> to vector<256x1xf32>
      %eq3A_390 = vector.broadcast %broadcast_in_dim3A_389 : vector<256x1xf32> to vector<256x2064xf32>
      %eq3A_391 = arith.cmpf oeq, %select_n3A_386, %eq3A_390 : vector<256x2064xf32>
      %jit3A_392 = arith.constant 1073741824 : i32
      %broadcast_in_dim3A_393 = vector.broadcast %jit3A_392 : i32 to vector<256x2064xi32>
      %select_n3A_394 = arith.select %eq3A_391, %concatenate3A_306, %broadcast_in_dim3A_393 : vector<256x2064xi1>, vector<256x2064xi32>
      %reduce_min3A_395 = arith.constant dense<2147483647> : vector<256xi32>
      %reduce_min3A_396 = vector.multi_reduction <minsi>, %select_n3A_394, %reduce_min3A_395 [1] : vector<256x2064xi32> to vector<256xi32>
      %broadcast_in_dim3A_397 = vector.shape_cast %reduce_min3A_396 : vector<256xi32> to vector<256x1xi32>
      %eq3A_398 = vector.broadcast %broadcast_in_dim3A_397 : vector<256x1xi32> to vector<256x2064xi32>
      %eq3A_399 = arith.cmpi eq, %concatenate3A_306, %eq3A_398 : vector<256x2064xi32>
      %jit3A_400 = arith.constant -1.700000e+38 : f32
      %broadcast_in_dim3A_401 = vector.broadcast %jit3A_400 : f32 to vector<256x2064xf32>
      %select_n3A_402 = arith.select %eq3A_399, %broadcast_in_dim3A_401, %select_n3A_386 : vector<256x2064xi1>, vector<256x2064xf32>
      %reduce_max3A_403 = arith.constant dense<0xFF800000> : vector<256xf32>
      %reduce_max3A_404 = vector.multi_reduction <maximumf>, %select_n3A_402, %reduce_max3A_403 [1] : vector<256x2064xf32> to vector<256xf32>
      %broadcast_in_dim3A_405 = vector.shape_cast %reduce_max3A_404 : vector<256xf32> to vector<256x1xf32>
      %eq3A_406 = vector.broadcast %broadcast_in_dim3A_405 : vector<256x1xf32> to vector<256x2064xf32>
      %eq3A_407 = arith.cmpf oeq, %select_n3A_402, %eq3A_406 : vector<256x2064xf32>
      %jit3A_408 = arith.constant 1073741824 : i32
      %broadcast_in_dim3A_409 = vector.broadcast %jit3A_408 : i32 to vector<256x2064xi32>
      %select_n3A_410 = arith.select %eq3A_407, %concatenate3A_306, %broadcast_in_dim3A_409 : vector<256x2064xi1>, vector<256x2064xi32>
      %reduce_min3A_411 = arith.constant dense<2147483647> : vector<256xi32>
      %reduce_min3A_412 = vector.multi_reduction <minsi>, %select_n3A_410, %reduce_min3A_411 [1] : vector<256x2064xi32> to vector<256xi32>
      %broadcast_in_dim3A_413 = vector.shape_cast %reduce_min3A_412 : vector<256xi32> to vector<256x1xi32>
      %eq3A_414 = vector.broadcast %broadcast_in_dim3A_413 : vector<256x1xi32> to vector<256x2064xi32>
      %eq3A_415 = arith.cmpi eq, %concatenate3A_306, %eq3A_414 : vector<256x2064xi32>
      %jit3A_416 = arith.constant -1.700000e+38 : f32
      %broadcast_in_dim3A_417 = vector.broadcast %jit3A_416 : f32 to vector<256x2064xf32>
      %select_n3A_418 = arith.select %eq3A_415, %broadcast_in_dim3A_417, %select_n3A_402 : vector<256x2064xi1>, vector<256x2064xf32>
      %reduce_max3A_419 = arith.constant dense<0xFF800000> : vector<256xf32>
      %reduce_max3A_420 = vector.multi_reduction <maximumf>, %select_n3A_418, %reduce_max3A_419 [1] : vector<256x2064xf32> to vector<256xf32>
      %broadcast_in_dim3A_421 = vector.shape_cast %reduce_max3A_420 : vector<256xf32> to vector<256x1xf32>
      %eq3A_422 = vector.broadcast %broadcast_in_dim3A_421 : vector<256x1xf32> to vector<256x2064xf32>
      %eq3A_423 = arith.cmpf oeq, %select_n3A_418, %eq3A_422 : vector<256x2064xf32>
      %jit3A_424 = arith.constant 1073741824 : i32
      %broadcast_in_dim3A_425 = vector.broadcast %jit3A_424 : i32 to vector<256x2064xi32>
      %select_n3A_426 = arith.select %eq3A_423, %concatenate3A_306, %broadcast_in_dim3A_425 : vector<256x2064xi1>, vector<256x2064xi32>
      %reduce_min3A_427 = arith.constant dense<2147483647> : vector<256xi32>
      %reduce_min3A_428 = vector.multi_reduction <minsi>, %select_n3A_426, %reduce_min3A_427 [1] : vector<256x2064xi32> to vector<256xi32>
      %broadcast_in_dim3A_429 = vector.shape_cast %reduce_min3A_428 : vector<256xi32> to vector<256x1xi32>
      %eq3A_430 = vector.broadcast %broadcast_in_dim3A_429 : vector<256x1xi32> to vector<256x2064xi32>
      %eq3A_431 = arith.cmpi eq, %concatenate3A_306, %eq3A_430 : vector<256x2064xi32>
      %jit3A_432 = arith.constant -1.700000e+38 : f32
      %broadcast_in_dim3A_433 = vector.broadcast %jit3A_432 : f32 to vector<256x2064xf32>
      %select_n3A_434 = arith.select %eq3A_431, %broadcast_in_dim3A_433, %select_n3A_418 : vector<256x2064xi1>, vector<256x2064xf32>
      %reduce_max3A_435 = arith.constant dense<0xFF800000> : vector<256xf32>
      %reduce_max3A_436 = vector.multi_reduction <maximumf>, %select_n3A_434, %reduce_max3A_435 [1] : vector<256x2064xf32> to vector<256xf32>
      %broadcast_in_dim3A_437 = vector.shape_cast %reduce_max3A_436 : vector<256xf32> to vector<256x1xf32>
      %eq3A_438 = vector.broadcast %broadcast_in_dim3A_437 : vector<256x1xf32> to vector<256x2064xf32>
      %eq3A_439 = arith.cmpf oeq, %select_n3A_434, %eq3A_438 : vector<256x2064xf32>
      %jit3A_440 = arith.constant 1073741824 : i32
      %broadcast_in_dim3A_441 = vector.broadcast %jit3A_440 : i32 to vector<256x2064xi32>
      %select_n3A_442 = arith.select %eq3A_439, %concatenate3A_306, %broadcast_in_dim3A_441 : vector<256x2064xi1>, vector<256x2064xi32>
      %reduce_min3A_443 = arith.constant dense<2147483647> : vector<256xi32>
      %reduce_min3A_444 = vector.multi_reduction <minsi>, %select_n3A_442, %reduce_min3A_443 [1] : vector<256x2064xi32> to vector<256xi32>
      %broadcast_in_dim3A_445 = vector.shape_cast %reduce_min3A_444 : vector<256xi32> to vector<256x1xi32>
      %eq3A_446 = vector.broadcast %broadcast_in_dim3A_445 : vector<256x1xi32> to vector<256x2064xi32>
      %eq3A_447 = arith.cmpi eq, %concatenate3A_306, %eq3A_446 : vector<256x2064xi32>
      %jit3A_448 = arith.constant -1.700000e+38 : f32
      %broadcast_in_dim3A_449 = vector.broadcast %jit3A_448 : f32 to vector<256x2064xf32>
      %select_n3A_450 = arith.select %eq3A_447, %broadcast_in_dim3A_449, %select_n3A_434 : vector<256x2064xi1>, vector<256x2064xf32>
      %reduce_max3A_451 = arith.constant dense<0xFF800000> : vector<256xf32>
      %reduce_max3A_452 = vector.multi_reduction <maximumf>, %select_n3A_450, %reduce_max3A_451 [1] : vector<256x2064xf32> to vector<256xf32>
      %broadcast_in_dim3A_453 = vector.shape_cast %reduce_max3A_452 : vector<256xf32> to vector<256x1xf32>
      %eq3A_454 = vector.broadcast %broadcast_in_dim3A_453 : vector<256x1xf32> to vector<256x2064xf32>
      %eq3A_455 = arith.cmpf oeq, %select_n3A_450, %eq3A_454 : vector<256x2064xf32>
      %jit3A_456 = arith.constant 1073741824 : i32
      %broadcast_in_dim3A_457 = vector.broadcast %jit3A_456 : i32 to vector<256x2064xi32>
      %select_n3A_458 = arith.select %eq3A_455, %concatenate3A_306, %broadcast_in_dim3A_457 : vector<256x2064xi1>, vector<256x2064xi32>
      %reduce_min3A_459 = arith.constant dense<2147483647> : vector<256xi32>
      %reduce_min3A_460 = vector.multi_reduction <minsi>, %select_n3A_458, %reduce_min3A_459 [1] : vector<256x2064xi32> to vector<256xi32>
      %broadcast_in_dim3A_461 = vector.shape_cast %reduce_min3A_460 : vector<256xi32> to vector<256x1xi32>
      %concatenate3A_462 = tpu.concatenate %broadcast_in_dim3A_309, %broadcast_in_dim3A_325, %broadcast_in_dim3A_341, %broadcast_in_dim3A_357, %broadcast_in_dim3A_373, %broadcast_in_dim3A_389, %broadcast_in_dim3A_405, %broadcast_in_dim3A_421, %broadcast_in_dim3A_437, %broadcast_in_dim3A_453, %broadcast_in_dim3A_281 in 1 : vector<256x1xf32>, vector<256x1xf32>, vector<256x1xf32>, vector<256x1xf32>, vector<256x1xf32>, vector<256x1xf32>, vector<256x1xf32>, vector<256x1xf32>, vector<256x1xf32>, vector<256x1xf32>, vector<256x6xf32> -> vector<256x16xf32>
      %swap3A = arith.constant 0 : index
      %swap3A_463 = arith.constant 0 : index
      %swap3A_464 = vector.load %arg6[%swap3A, %swap3A_463] : memref<256x16xf32, #tpu.memory_space<vmem>>, vector<256x16xf32>
      tpu.vector_store %arg6[%swap3A, %swap3A_463], %concatenate3A_462 {strides = array<i32>} : memref<256x16xf32, #tpu.memory_space<vmem>>, vector<256x16xf32>,
      %concatenate3A_465 = tpu.concatenate %broadcast_in_dim3A_317, %broadcast_in_dim3A_333, %broadcast_in_dim3A_349, %broadcast_in_dim3A_365, %broadcast_in_dim3A_381, %broadcast_in_dim3A_397, %broadcast_in_dim3A_413, %broadcast_in_dim3A_429, %broadcast_in_dim3A_445, %broadcast_in_dim3A_461, %broadcast_in_dim3A_283 in 1 : vector<256x1xi32>, vector<256x1xi32>, vector<256x1xi32>, vector<256x1xi32>, vector<256x1xi32>, vector<256x1xi32>, vector<256x1xi32>, vector<256x1xi32>, vector<256x1xi32>, vector<256x1xi32>, vector<256x6xi32> -> vector<256x16xi32>
      %swap3A_466 = arith.constant 0 : index
      %swap3A_467 = arith.constant 0 : index
      %swap3A_468 = vector.load %arg7[%swap3A_466, %swap3A_467] : memref<256x16xi32, #tpu.memory_space<vmem>>, vector<256x16xi32>
      tpu.vector_store %arg7[%swap3A_466, %swap3A_467], %concatenate3A_465 {strides = array<i32>} : memref<256x16xi32, #tpu.memory_space<vmem>>, vector<256x16xi32>,
    } else {
    }
    %eq3A_294 = arith.constant 48 : i32
    %eq3A_295 = arith.cmpi eq, %arg1, %eq3A_294 : i32
    %convert_element_type3A_296 = arith.extui %eq3A_295 : i1 to i32
    %cond3A_297 = arith.constant 0 : i32
    %cond3A_298 = arith.cmpi ne, %convert_element_type3A_296, %cond3A_297 : i32
    scf.if %cond3A_298 {
      %get3A_299 = arith.constant 0 : index
      %get3A_300 = arith.constant 0 : index
      %get3A_301 = vector.load %arg6[%get3A_299, %get3A_300] : memref<256x16xf32, #tpu.memory_space<vmem>>, vector<256x10xf32>
      %swap3A = arith.constant 0 : index
      %swap3A_302 = arith.constant 0 : index
      %swap3A_303 = vector.load %arg4[%swap3A, %swap3A_302] : memref<256x10xf32, #tpu.memory_space<vmem>>, vector<256x10xf32>
      tpu.vector_store %arg4[%swap3A, %swap3A_302], %get3A_301 {strides = array<i32>} : memref<256x10xf32, #tpu.memory_space<vmem>>, vector<256x10xf32>,
      %get3A_304 = arith.constant 0 : index
      %get3A_305 = arith.constant 0 : index
      %get3A_306 = vector.load %arg7[%get3A_304, %get3A_305] : memref<256x16xi32, #tpu.memory_space<vmem>>, vector<256x10xi32>
      %swap3A_307 = arith.constant 0 : index
      %swap3A_308 = arith.constant 0 : index
      %swap3A_309 = vector.load %arg5[%swap3A_307, %swap3A_308] : memref<256x10xi32, #tpu.memory_space<vmem>>, vector<256x10xi32>
      tpu.vector_store %arg5[%swap3A_307, %swap3A_308], %get3A_306 {strides = array<i32>} : memref<256x10xi32, #tpu.memory_space<vmem>>, vector<256x10xi32>,
    } else {
    }
    return
  }
  func.func @transform_0(%arg0: i32, %arg1: i32) -> (i32, i32) {
    %c0_i32 = arith.constant 0 : i32
    %c0_i32_0 = arith.constant 0 : i32
    return %arg0, %c0_i32 : i32, i32
  }
  func.func @transform_1(%arg0: i32, %arg1: i32) -> (i32, i32) {
    %c0_i32 = arith.constant 0 : i32
    %c0_i32_0 = arith.constant 0 : i32
    return %arg1, %c0_i32 : i32, i32
  }
  func.func @transform_2(%arg0: i32, %arg1: i32) -> (i32, i32) {
    %c0_i32 = arith.constant 0 : i32
    %c0_i32_0 = arith.constant 0 : i32
    return %arg0, %c0_i32 : i32, i32
  }
  func.func @transform_3(%arg0: i32, %arg1: i32) -> (i32, i32) {
    %c0_i32 = arith.constant 0 : i32
    %c0_i32_0 = arith.constant 0 : i32
    return %arg0, %c0_i32 : i32, i32
  }
}

module attributes {stable_mosaic.version = 14 : i64} {
  func.func @_topk_body(%arg0: i32, %arg1: i32, %arg2: memref<256x128xf32, #tpu.memory_space<vmem>>, %arg3: memref<2048x128xf32, #tpu.memory_space<vmem>>, %arg4: memref<256x10xf32, #tpu.memory_space<vmem>>, %arg5: memref<256x10xi32, #tpu.memory_space<vmem>>, %arg6: memref<256x16xf32, #tpu.memory_space<vmem>>, %arg7: memref<256x16xi32, #tpu.memory_space<vmem>>) attributes {dimension_semantics = [#tpu.dimension_semantics<parallel>, #tpu.dimension_semantics<arbitrary>], iteration_bounds = array<i64: 40, 49>, scalar_prefetch = 0 : i64, scratch_operands = 2 : i64, tpu.core_type = #tpu.core_type<tc>, window_params = [{transform_indices = @transform_0, window_bounds = array<i64: 256, 128>}, {transform_indices = @transform_1, window_bounds = array<i64: 2048, 128>}, {transform_indices = @transform_2, window_bounds = array<i64: 256, 10>}, {transform_indices = @transform_3, window_bounds = array<i64: 256, 10>}]} {
    %eq3A = arith.constant 0 : i32
    %eq3A_0 = arith.cmpi eq, %arg1, %eq3A : i32
    %convert_element_type3A = arith.extui %eq3A_0 : i1 to i32
    %cond3A = arith.constant 0 : i32
    %cond3A_1 = arith.cmpi ne, %convert_element_type3A, %cond3A : i32
    scf.if %cond3A_1 {
      %broadcast_in_dim3A_299 = arith.constant -1.700000e+38 : f32
      %broadcast_in_dim3A_300 = vector.broadcast %broadcast_in_dim3A_299 : f32 to vector<256x16xf32>
      %swap3A = arith.constant 0 : index
      %swap3A_301 = arith.constant 0 : index
      %swap3A_302 = vector.load %arg6[%swap3A, %swap3A_301] : memref<256x16xf32, #tpu.memory_space<vmem>>, vector<256x16xf32>
      tpu.vector_store %arg6[%swap3A, %swap3A_301], %broadcast_in_dim3A_300 {strides = array<i32>} : memref<256x16xf32, #tpu.memory_space<vmem>>, vector<256x16xf32>,
      %broadcast_in_dim3A_303 = arith.constant -1 : i32
      %broadcast_in_dim3A_304 = vector.broadcast %broadcast_in_dim3A_303 : i32 to vector<256x16xi32>
      %swap3A_305 = arith.constant 0 : index
      %swap3A_306 = arith.constant 0 : index
      %swap3A_307 = vector.load %arg7[%swap3A_305, %swap3A_306] : memref<256x16xi32, #tpu.memory_space<vmem>>, vector<256x16xi32>
      tpu.vector_store %arg7[%swap3A_305, %swap3A_306], %broadcast_in_dim3A_304 {strides = array<i32>} : memref<256x16xi32, #tpu.memory_space<vmem>>, vector<256x16xi32>,
    } else {
    }
    %get3A = arith.constant 0 : index
    %get3A_2 = arith.constant 0 : index
    %get3A_3 = vector.load %arg2[%get3A, %get3A_2] : memref<256x128xf32, #tpu.memory_space<vmem>>, vector<256x128xf32>
    %get3A_4 = arith.constant 0 : index
    %get3A_5 = arith.constant 0 : index
    %get3A_6 = vector.load %arg3[%get3A_4, %get3A_5] : memref<2048x128xf32, #tpu.memory_space<vmem>>, vector<2048x128xf32>
    %dot_general3A = arith.constant dense<0.000000e+00> : vector<256x2048xf32>
    %dot_general3A_7 = tpu.matmul %get3A_3, %get3A_6, %dot_general3A {dimension_numbers = #tpu.dot_dimension_numbers<[1], [1], [0], [0], [0, 0, 1, 0], [], []>, transpose_lhs_hint = false} : vector<256x128xf32>, vector<2048x128xf32>, vector<256x2048xf32> -> vector<256x2048xf32>
    %mul3A = arith.constant 2048 : i32
    %mul3A_8 = arith.muli %arg1, %mul3A : i32
    %iota3A = tpu.iota {dimensions = array<i32: 1>} : vector<256x2048xi32>
    %add3A = vector.broadcast %mul3A_8 : i32 to vector<256x2048xi32>
    %add3A_9 = arith.addi %add3A, %iota3A : vector<256x2048xi32>
    %lt3A = arith.constant 100000 : i32
    %lt3A_10 = vector.broadcast %lt3A : i32 to vector<256x2048xi32>
    %lt3A_11 = arith.cmpi slt, %add3A_9, %lt3A_10 : vector<256x2048xi32>
    %jit3A = arith.constant -1.700000e+38 : f32
    %broadcast_in_dim3A = vector.broadcast %jit3A : f32 to vector<256x2048xf32>
    %select_n3A = arith.select %lt3A_11, %dot_general3A_7, %broadcast_in_dim3A : vector<256x2048xi1>, vector<256x2048xf32>
    %reshape3A = vector.shape_cast %select_n3A : vector<256x2048xf32> to vector<256x16x128xf32>
    %iota3A_12 = tpu.iota {dimensions = array<i32: 1>} : vector<256x16x128xi32>
    %iota3A_13 = tpu.iota {dimensions = array<i32: 1>} : vector<256x128xi32>
    %mul3A_14 = arith.constant 2048 : i32
    %mul3A_15 = arith.muli %arg1, %mul3A_14 : i32
    %add3A_16 = vector.broadcast %mul3A_15 : i32 to vector<256x128xi32>
    %add3A_17 = arith.addi %add3A_16, %iota3A_13 : vector<256x128xi32>
    %reduce_max3A = arith.constant dense<0xFF800000> : vector<256x128xf32>
    %reduce_max3A_18 = vector.multi_reduction <maximumf>, %reshape3A, %reduce_max3A [1] : vector<256x16x128xf32> to vector<256x128xf32>
    %broadcast_in_dim3A_19 = vector.shape_cast %reduce_max3A_18 : vector<256x128xf32> to vector<256x1x128xf32>
    %eq3A_20 = vector.broadcast %broadcast_in_dim3A_19 : vector<256x1x128xf32> to vector<256x16x128xf32>
    %eq3A_21 = arith.cmpf oeq, %reshape3A, %eq3A_20 : vector<256x16x128xf32>
    %jit3A_22 = arith.constant 1073741824 : i32
    %broadcast_in_dim3A_23 = vector.broadcast %jit3A_22 : i32 to vector<256x16x128xi32>
    %select_n3A_24 = arith.select %eq3A_21, %iota3A_12, %broadcast_in_dim3A_23 : vector<256x16x128xi1>, vector<256x16x128xi32>
    %reduce_min3A = arith.constant dense<2147483647> : vector<256x128xi32>
    %reduce_min3A_25 = vector.multi_reduction <minsi>, %select_n3A_24, %reduce_min3A [1] : vector<256x16x128xi32> to vector<256x128xi32>
    %broadcast_in_dim3A_26 = vector.shape_cast %reduce_min3A_25 : vector<256x128xi32> to vector<256x1x128xi32>
    %eq3A_27 = vector.broadcast %broadcast_in_dim3A_26 : vector<256x1x128xi32> to vector<256x16x128xi32>
    %eq3A_28 = arith.cmpi eq, %iota3A_12, %eq3A_27 : vector<256x16x128xi32>
    %jit3A_29 = arith.constant -1.700000e+38 : f32
    %broadcast_in_dim3A_30 = vector.broadcast %jit3A_29 : f32 to vector<256x16x128xf32>
    %select_n3A_31 = arith.select %eq3A_28, %broadcast_in_dim3A_30, %reshape3A : vector<256x16x128xi1>, vector<256x16x128xf32>
    %reduce_max3A_32 = arith.constant dense<0xFF800000> : vector<256x128xf32>
    %reduce_max3A_33 = vector.multi_reduction <maximumf>, %select_n3A_31, %reduce_max3A_32 [1] : vector<256x16x128xf32> to vector<256x128xf32>
    %broadcast_in_dim3A_34 = vector.shape_cast %reduce_max3A_33 : vector<256x128xf32> to vector<256x1x128xf32>
    %eq3A_35 = vector.broadcast %broadcast_in_dim3A_34 : vector<256x1x128xf32> to vector<256x16x128xf32>
    %eq3A_36 = arith.cmpf oeq, %select_n3A_31, %eq3A_35 : vector<256x16x128xf32>
    %jit3A_37 = arith.constant 1073741824 : i32
    %broadcast_in_dim3A_38 = vector.broadcast %jit3A_37 : i32 to vector<256x16x128xi32>
    %select_n3A_39 = arith.select %eq3A_36, %iota3A_12, %broadcast_in_dim3A_38 : vector<256x16x128xi1>, vector<256x16x128xi32>
    %reduce_min3A_40 = arith.constant dense<2147483647> : vector<256x128xi32>
    %reduce_min3A_41 = vector.multi_reduction <minsi>, %select_n3A_39, %reduce_min3A_40 [1] : vector<256x16x128xi32> to vector<256x128xi32>
    %broadcast_in_dim3A_42 = vector.shape_cast %reduce_min3A_41 : vector<256x128xi32> to vector<256x1x128xi32>
    %eq3A_43 = vector.broadcast %broadcast_in_dim3A_42 : vector<256x1x128xi32> to vector<256x16x128xi32>
    %eq3A_44 = arith.cmpi eq, %iota3A_12, %eq3A_43 : vector<256x16x128xi32>
    %jit3A_45 = arith.constant -1.700000e+38 : f32
    %broadcast_in_dim3A_46 = vector.broadcast %jit3A_45 : f32 to vector<256x16x128xf32>
    %select_n3A_47 = arith.select %eq3A_44, %broadcast_in_dim3A_46, %select_n3A_31 : vector<256x16x128xi1>, vector<256x16x128xf32>
    %reduce_max3A_48 = arith.constant dense<0xFF800000> : vector<256x128xf32>
    %reduce_max3A_49 = vector.multi_reduction <maximumf>, %select_n3A_47, %reduce_max3A_48 [1] : vector<256x16x128xf32> to vector<256x128xf32>
    %broadcast_in_dim3A_50 = vector.shape_cast %reduce_max3A_49 : vector<256x128xf32> to vector<256x1x128xf32>
    %eq3A_51 = vector.broadcast %broadcast_in_dim3A_50 : vector<256x1x128xf32> to vector<256x16x128xf32>
    %eq3A_52 = arith.cmpf oeq, %select_n3A_47, %eq3A_51 : vector<256x16x128xf32>
    %jit3A_53 = arith.constant 1073741824 : i32
    %broadcast_in_dim3A_54 = vector.broadcast %jit3A_53 : i32 to vector<256x16x128xi32>
    %select_n3A_55 = arith.select %eq3A_52, %iota3A_12, %broadcast_in_dim3A_54 : vector<256x16x128xi1>, vector<256x16x128xi32>
    %reduce_min3A_56 = arith.constant dense<2147483647> : vector<256x128xi32>
    %reduce_min3A_57 = vector.multi_reduction <minsi>, %select_n3A_55, %reduce_min3A_56 [1] : vector<256x16x128xi32> to vector<256x128xi32>
    %broadcast_in_dim3A_58 = vector.shape_cast %reduce_min3A_57 : vector<256x128xi32> to vector<256x1x128xi32>
    %eq3A_59 = vector.broadcast %broadcast_in_dim3A_58 : vector<256x1x128xi32> to vector<256x16x128xi32>
    %eq3A_60 = arith.cmpi eq, %iota3A_12, %eq3A_59 : vector<256x16x128xi32>
    %jit3A_61 = arith.constant -1.700000e+38 : f32
    %broadcast_in_dim3A_62 = vector.broadcast %jit3A_61 : f32 to vector<256x16x128xf32>
    %select_n3A_63 = arith.select %eq3A_60, %broadcast_in_dim3A_62, %select_n3A_47 : vector<256x16x128xi1>, vector<256x16x128xf32>
    %reduce_max3A_64 = arith.constant dense<0xFF800000> : vector<256x128xf32>
    %reduce_max3A_65 = vector.multi_reduction <maximumf>, %select_n3A_63, %reduce_max3A_64 [1] : vector<256x16x128xf32> to vector<256x128xf32>
    %mul3A_66 = arith.constant 128 : i32
    %mul3A_67 = vector.broadcast %mul3A_66 : i32 to vector<256x128xi32>
    %mul3A_68 = arith.muli %reduce_min3A_25, %mul3A_67 : vector<256x128xi32>
    %add3A_69 = arith.addi %add3A_17, %mul3A_68 : vector<256x128xi32>
    %mul3A_70 = arith.constant 128 : i32
    %mul3A_71 = vector.broadcast %mul3A_70 : i32 to vector<256x128xi32>
    %mul3A_72 = arith.muli %reduce_min3A_41, %mul3A_71 : vector<256x128xi32>
    %add3A_73 = arith.addi %add3A_17, %mul3A_72 : vector<256x128xi32>
    %mul3A_74 = arith.constant 128 : i32
    %mul3A_75 = vector.broadcast %mul3A_74 : i32 to vector<256x128xi32>
    %mul3A_76 = arith.muli %reduce_min3A_57, %mul3A_75 : vector<256x128xi32>
    %add3A_77 = arith.addi %add3A_17, %mul3A_76 : vector<256x128xi32>
    %get3A_78 = arith.constant 0 : index
    %get3A_79 = arith.constant 0 : index
    %get3A_80 = vector.load %arg6[%get3A_78, %get3A_79] : memref<256x16xf32, #tpu.memory_space<vmem>>, vector<256x16xf32>
    %concatenate3A = tpu.concatenate %reduce_max3A_18, %reduce_max3A_33, %reduce_max3A_49, %get3A_80 in 1 : vector<256x128xf32>, vector<256x128xf32>, vector<256x128xf32>, vector<256x16xf32> -> vector<256x400xf32>
    %get3A_81 = arith.constant 0 : index
    %get3A_82 = arith.constant 0 : index
    %get3A_83 = vector.load %arg7[%get3A_81, %get3A_82] : memref<256x16xi32, #tpu.memory_space<vmem>>, vector<256x16xi32>
    %concatenate3A_84 = tpu.concatenate %add3A_69, %add3A_73, %add3A_77, %get3A_83 in 1 : vector<256x128xi32>, vector<256x128xi32>, vector<256x128xi32>, vector<256x16xi32> -> vector<256x400xi32>
    %reduce_max3A_85 = arith.constant dense<0xFF800000> : vector<256xf32>
    %reduce_max3A_86 = vector.multi_reduction <maximumf>, %concatenate3A, %reduce_max3A_85 [1] : vector<256x400xf32> to vector<256xf32>
    %broadcast_in_dim3A_87 = vector.shape_cast %reduce_max3A_86 : vector<256xf32> to vector<256x1xf32>
    %eq3A_88 = vector.broadcast %broadcast_in_dim3A_87 : vector<256x1xf32> to vector<256x400xf32>
    %eq3A_89 = arith.cmpf oeq, %concatenate3A, %eq3A_88 : vector<256x400xf32>
    %jit3A_90 = arith.constant 1073741824 : i32
    %broadcast_in_dim3A_91 = vector.broadcast %jit3A_90 : i32 to vector<256x400xi32>
    %select_n3A_92 = arith.select %eq3A_89, %concatenate3A_84, %broadcast_in_dim3A_91 : vector<256x400xi1>, vector<256x400xi32>
    %reduce_min3A_93 = arith.constant dense<2147483647> : vector<256xi32>
    %reduce_min3A_94 = vector.multi_reduction <minsi>, %select_n3A_92, %reduce_min3A_93 [1] : vector<256x400xi32> to vector<256xi32>
    %broadcast_in_dim3A_95 = vector.shape_cast %reduce_min3A_94 : vector<256xi32> to vector<256x1xi32>
    %eq3A_96 = vector.broadcast %broadcast_in_dim3A_95 : vector<256x1xi32> to vector<256x400xi32>
    %eq3A_97 = arith.cmpi eq, %concatenate3A_84, %eq3A_96 : vector<256x400xi32>
    %jit3A_98 = arith.constant -1.700000e+38 : f32
    %broadcast_in_dim3A_99 = vector.broadcast %jit3A_98 : f32 to vector<256x400xf32>
    %select_n3A_100 = arith.select %eq3A_97, %broadcast_in_dim3A_99, %concatenate3A : vector<256x400xi1>, vector<256x400xf32>
    %reduce_max3A_101 = arith.constant dense<0xFF800000> : vector<256xf32>
    %reduce_max3A_102 = vector.multi_reduction <maximumf>, %select_n3A_100, %reduce_max3A_101 [1] : vector<256x400xf32> to vector<256xf32>
    %broadcast_in_dim3A_103 = vector.shape_cast %reduce_max3A_102 : vector<256xf32> to vector<256x1xf32>
    %eq3A_104 = vector.broadcast %broadcast_in_dim3A_103 : vector<256x1xf32> to vector<256x400xf32>
    %eq3A_105 = arith.cmpf oeq, %select_n3A_100, %eq3A_104 : vector<256x400xf32>
    %jit3A_106 = arith.constant 1073741824 : i32
    %broadcast_in_dim3A_107 = vector.broadcast %jit3A_106 : i32 to vector<256x400xi32>
    %select_n3A_108 = arith.select %eq3A_105, %concatenate3A_84, %broadcast_in_dim3A_107 : vector<256x400xi1>, vector<256x400xi32>
    %reduce_min3A_109 = arith.constant dense<2147483647> : vector<256xi32>
    %reduce_min3A_110 = vector.multi_reduction <minsi>, %select_n3A_108, %reduce_min3A_109 [1] : vector<256x400xi32> to vector<256xi32>
    %broadcast_in_dim3A_111 = vector.shape_cast %reduce_min3A_110 : vector<256xi32> to vector<256x1xi32>
    %eq3A_112 = vector.broadcast %broadcast_in_dim3A_111 : vector<256x1xi32> to vector<256x400xi32>
    %eq3A_113 = arith.cmpi eq, %concatenate3A_84, %eq3A_112 : vector<256x400xi32>
    %jit3A_114 = arith.constant -1.700000e+38 : f32
    %broadcast_in_dim3A_115 = vector.broadcast %jit3A_114 : f32 to vector<256x400xf32>
    %select_n3A_116 = arith.select %eq3A_113, %broadcast_in_dim3A_115, %select_n3A_100 : vector<256x400xi1>, vector<256x400xf32>
    %reduce_max3A_117 = arith.constant dense<0xFF800000> : vector<256xf32>
    %reduce_max3A_118 = vector.multi_reduction <maximumf>, %select_n3A_116, %reduce_max3A_117 [1] : vector<256x400xf32> to vector<256xf32>
    %broadcast_in_dim3A_119 = vector.shape_cast %reduce_max3A_118 : vector<256xf32> to vector<256x1xf32>
    %eq3A_120 = vector.broadcast %broadcast_in_dim3A_119 : vector<256x1xf32> to vector<256x400xf32>
    %eq3A_121 = arith.cmpf oeq, %select_n3A_116, %eq3A_120 : vector<256x400xf32>
    %jit3A_122 = arith.constant 1073741824 : i32
    %broadcast_in_dim3A_123 = vector.broadcast %jit3A_122 : i32 to vector<256x400xi32>
    %select_n3A_124 = arith.select %eq3A_121, %concatenate3A_84, %broadcast_in_dim3A_123 : vector<256x400xi1>, vector<256x400xi32>
    %reduce_min3A_125 = arith.constant dense<2147483647> : vector<256xi32>
    %reduce_min3A_126 = vector.multi_reduction <minsi>, %select_n3A_124, %reduce_min3A_125 [1] : vector<256x400xi32> to vector<256xi32>
    %broadcast_in_dim3A_127 = vector.shape_cast %reduce_min3A_126 : vector<256xi32> to vector<256x1xi32>
    %eq3A_128 = vector.broadcast %broadcast_in_dim3A_127 : vector<256x1xi32> to vector<256x400xi32>
    %eq3A_129 = arith.cmpi eq, %concatenate3A_84, %eq3A_128 : vector<256x400xi32>
    %jit3A_130 = arith.constant -1.700000e+38 : f32
    %broadcast_in_dim3A_131 = vector.broadcast %jit3A_130 : f32 to vector<256x400xf32>
    %select_n3A_132 = arith.select %eq3A_129, %broadcast_in_dim3A_131, %select_n3A_116 : vector<256x400xi1>, vector<256x400xf32>
    %reduce_max3A_133 = arith.constant dense<0xFF800000> : vector<256xf32>
    %reduce_max3A_134 = vector.multi_reduction <maximumf>, %select_n3A_132, %reduce_max3A_133 [1] : vector<256x400xf32> to vector<256xf32>
    %broadcast_in_dim3A_135 = vector.shape_cast %reduce_max3A_134 : vector<256xf32> to vector<256x1xf32>
    %eq3A_136 = vector.broadcast %broadcast_in_dim3A_135 : vector<256x1xf32> to vector<256x400xf32>
    %eq3A_137 = arith.cmpf oeq, %select_n3A_132, %eq3A_136 : vector<256x400xf32>
    %jit3A_138 = arith.constant 1073741824 : i32
    %broadcast_in_dim3A_139 = vector.broadcast %jit3A_138 : i32 to vector<256x400xi32>
    %select_n3A_140 = arith.select %eq3A_137, %concatenate3A_84, %broadcast_in_dim3A_139 : vector<256x400xi1>, vector<256x400xi32>
    %reduce_min3A_141 = arith.constant dense<2147483647> : vector<256xi32>
    %reduce_min3A_142 = vector.multi_reduction <minsi>, %select_n3A_140, %reduce_min3A_141 [1] : vector<256x400xi32> to vector<256xi32>
    %broadcast_in_dim3A_143 = vector.shape_cast %reduce_min3A_142 : vector<256xi32> to vector<256x1xi32>
    %eq3A_144 = vector.broadcast %broadcast_in_dim3A_143 : vector<256x1xi32> to vector<256x400xi32>
    %eq3A_145 = arith.cmpi eq, %concatenate3A_84, %eq3A_144 : vector<256x400xi32>
    %jit3A_146 = arith.constant -1.700000e+38 : f32
    %broadcast_in_dim3A_147 = vector.broadcast %jit3A_146 : f32 to vector<256x400xf32>
    %select_n3A_148 = arith.select %eq3A_145, %broadcast_in_dim3A_147, %select_n3A_132 : vector<256x400xi1>, vector<256x400xf32>
    %reduce_max3A_149 = arith.constant dense<0xFF800000> : vector<256xf32>
    %reduce_max3A_150 = vector.multi_reduction <maximumf>, %select_n3A_148, %reduce_max3A_149 [1] : vector<256x400xf32> to vector<256xf32>
    %broadcast_in_dim3A_151 = vector.shape_cast %reduce_max3A_150 : vector<256xf32> to vector<256x1xf32>
    %eq3A_152 = vector.broadcast %broadcast_in_dim3A_151 : vector<256x1xf32> to vector<256x400xf32>
    %eq3A_153 = arith.cmpf oeq, %select_n3A_148, %eq3A_152 : vector<256x400xf32>
    %jit3A_154 = arith.constant 1073741824 : i32
    %broadcast_in_dim3A_155 = vector.broadcast %jit3A_154 : i32 to vector<256x400xi32>
    %select_n3A_156 = arith.select %eq3A_153, %concatenate3A_84, %broadcast_in_dim3A_155 : vector<256x400xi1>, vector<256x400xi32>
    %reduce_min3A_157 = arith.constant dense<2147483647> : vector<256xi32>
    %reduce_min3A_158 = vector.multi_reduction <minsi>, %select_n3A_156, %reduce_min3A_157 [1] : vector<256x400xi32> to vector<256xi32>
    %broadcast_in_dim3A_159 = vector.shape_cast %reduce_min3A_158 : vector<256xi32> to vector<256x1xi32>
    %eq3A_160 = vector.broadcast %broadcast_in_dim3A_159 : vector<256x1xi32> to vector<256x400xi32>
    %eq3A_161 = arith.cmpi eq, %concatenate3A_84, %eq3A_160 : vector<256x400xi32>
    %jit3A_162 = arith.constant -1.700000e+38 : f32
    %broadcast_in_dim3A_163 = vector.broadcast %jit3A_162 : f32 to vector<256x400xf32>
    %select_n3A_164 = arith.select %eq3A_161, %broadcast_in_dim3A_163, %select_n3A_148 : vector<256x400xi1>, vector<256x400xf32>
    %reduce_max3A_165 = arith.constant dense<0xFF800000> : vector<256xf32>
    %reduce_max3A_166 = vector.multi_reduction <maximumf>, %select_n3A_164, %reduce_max3A_165 [1] : vector<256x400xf32> to vector<256xf32>
    %broadcast_in_dim3A_167 = vector.shape_cast %reduce_max3A_166 : vector<256xf32> to vector<256x1xf32>
    %eq3A_168 = vector.broadcast %broadcast_in_dim3A_167 : vector<256x1xf32> to vector<256x400xf32>
    %eq3A_169 = arith.cmpf oeq, %select_n3A_164, %eq3A_168 : vector<256x400xf32>
    %jit3A_170 = arith.constant 1073741824 : i32
    %broadcast_in_dim3A_171 = vector.broadcast %jit3A_170 : i32 to vector<256x400xi32>
    %select_n3A_172 = arith.select %eq3A_169, %concatenate3A_84, %broadcast_in_dim3A_171 : vector<256x400xi1>, vector<256x400xi32>
    %reduce_min3A_173 = arith.constant dense<2147483647> : vector<256xi32>
    %reduce_min3A_174 = vector.multi_reduction <minsi>, %select_n3A_172, %reduce_min3A_173 [1] : vector<256x400xi32> to vector<256xi32>
    %broadcast_in_dim3A_175 = vector.shape_cast %reduce_min3A_174 : vector<256xi32> to vector<256x1xi32>
    %eq3A_176 = vector.broadcast %broadcast_in_dim3A_175 : vector<256x1xi32> to vector<256x400xi32>
    %eq3A_177 = arith.cmpi eq, %concatenate3A_84, %eq3A_176 : vector<256x400xi32>
    %jit3A_178 = arith.constant -1.700000e+38 : f32
    %broadcast_in_dim3A_179 = vector.broadcast %jit3A_178 : f32 to vector<256x400xf32>
    %select_n3A_180 = arith.select %eq3A_177, %broadcast_in_dim3A_179, %select_n3A_164 : vector<256x400xi1>, vector<256x400xf32>
    %reduce_max3A_181 = arith.constant dense<0xFF800000> : vector<256xf32>
    %reduce_max3A_182 = vector.multi_reduction <maximumf>, %select_n3A_180, %reduce_max3A_181 [1] : vector<256x400xf32> to vector<256xf32>
    %broadcast_in_dim3A_183 = vector.shape_cast %reduce_max3A_182 : vector<256xf32> to vector<256x1xf32>
    %eq3A_184 = vector.broadcast %broadcast_in_dim3A_183 : vector<256x1xf32> to vector<256x400xf32>
    %eq3A_185 = arith.cmpf oeq, %select_n3A_180, %eq3A_184 : vector<256x400xf32>
    %jit3A_186 = arith.constant 1073741824 : i32
    %broadcast_in_dim3A_187 = vector.broadcast %jit3A_186 : i32 to vector<256x400xi32>
    %select_n3A_188 = arith.select %eq3A_185, %concatenate3A_84, %broadcast_in_dim3A_187 : vector<256x400xi1>, vector<256x400xi32>
    %reduce_min3A_189 = arith.constant dense<2147483647> : vector<256xi32>
    %reduce_min3A_190 = vector.multi_reduction <minsi>, %select_n3A_188, %reduce_min3A_189 [1] : vector<256x400xi32> to vector<256xi32>
    %broadcast_in_dim3A_191 = vector.shape_cast %reduce_min3A_190 : vector<256xi32> to vector<256x1xi32>
    %eq3A_192 = vector.broadcast %broadcast_in_dim3A_191 : vector<256x1xi32> to vector<256x400xi32>
    %eq3A_193 = arith.cmpi eq, %concatenate3A_84, %eq3A_192 : vector<256x400xi32>
    %jit3A_194 = arith.constant -1.700000e+38 : f32
    %broadcast_in_dim3A_195 = vector.broadcast %jit3A_194 : f32 to vector<256x400xf32>
    %select_n3A_196 = arith.select %eq3A_193, %broadcast_in_dim3A_195, %select_n3A_180 : vector<256x400xi1>, vector<256x400xf32>
    %reduce_max3A_197 = arith.constant dense<0xFF800000> : vector<256xf32>
    %reduce_max3A_198 = vector.multi_reduction <maximumf>, %select_n3A_196, %reduce_max3A_197 [1] : vector<256x400xf32> to vector<256xf32>
    %broadcast_in_dim3A_199 = vector.shape_cast %reduce_max3A_198 : vector<256xf32> to vector<256x1xf32>
    %eq3A_200 = vector.broadcast %broadcast_in_dim3A_199 : vector<256x1xf32> to vector<256x400xf32>
    %eq3A_201 = arith.cmpf oeq, %select_n3A_196, %eq3A_200 : vector<256x400xf32>
    %jit3A_202 = arith.constant 1073741824 : i32
    %broadcast_in_dim3A_203 = vector.broadcast %jit3A_202 : i32 to vector<256x400xi32>
    %select_n3A_204 = arith.select %eq3A_201, %concatenate3A_84, %broadcast_in_dim3A_203 : vector<256x400xi1>, vector<256x400xi32>
    %reduce_min3A_205 = arith.constant dense<2147483647> : vector<256xi32>
    %reduce_min3A_206 = vector.multi_reduction <minsi>, %select_n3A_204, %reduce_min3A_205 [1] : vector<256x400xi32> to vector<256xi32>
    %broadcast_in_dim3A_207 = vector.shape_cast %reduce_min3A_206 : vector<256xi32> to vector<256x1xi32>
    %eq3A_208 = vector.broadcast %broadcast_in_dim3A_207 : vector<256x1xi32> to vector<256x400xi32>
    %eq3A_209 = arith.cmpi eq, %concatenate3A_84, %eq3A_208 : vector<256x400xi32>
    %jit3A_210 = arith.constant -1.700000e+38 : f32
    %broadcast_in_dim3A_211 = vector.broadcast %jit3A_210 : f32 to vector<256x400xf32>
    %select_n3A_212 = arith.select %eq3A_209, %broadcast_in_dim3A_211, %select_n3A_196 : vector<256x400xi1>, vector<256x400xf32>
    %reduce_max3A_213 = arith.constant dense<0xFF800000> : vector<256xf32>
    %reduce_max3A_214 = vector.multi_reduction <maximumf>, %select_n3A_212, %reduce_max3A_213 [1] : vector<256x400xf32> to vector<256xf32>
    %broadcast_in_dim3A_215 = vector.shape_cast %reduce_max3A_214 : vector<256xf32> to vector<256x1xf32>
    %eq3A_216 = vector.broadcast %broadcast_in_dim3A_215 : vector<256x1xf32> to vector<256x400xf32>
    %eq3A_217 = arith.cmpf oeq, %select_n3A_212, %eq3A_216 : vector<256x400xf32>
    %jit3A_218 = arith.constant 1073741824 : i32
    %broadcast_in_dim3A_219 = vector.broadcast %jit3A_218 : i32 to vector<256x400xi32>
    %select_n3A_220 = arith.select %eq3A_217, %concatenate3A_84, %broadcast_in_dim3A_219 : vector<256x400xi1>, vector<256x400xi32>
    %reduce_min3A_221 = arith.constant dense<2147483647> : vector<256xi32>
    %reduce_min3A_222 = vector.multi_reduction <minsi>, %select_n3A_220, %reduce_min3A_221 [1] : vector<256x400xi32> to vector<256xi32>
    %broadcast_in_dim3A_223 = vector.shape_cast %reduce_min3A_222 : vector<256xi32> to vector<256x1xi32>
    %eq3A_224 = vector.broadcast %broadcast_in_dim3A_223 : vector<256x1xi32> to vector<256x400xi32>
    %eq3A_225 = arith.cmpi eq, %concatenate3A_84, %eq3A_224 : vector<256x400xi32>
    %jit3A_226 = arith.constant -1.700000e+38 : f32
    %broadcast_in_dim3A_227 = vector.broadcast %jit3A_226 : f32 to vector<256x400xf32>
    %select_n3A_228 = arith.select %eq3A_225, %broadcast_in_dim3A_227, %select_n3A_212 : vector<256x400xi1>, vector<256x400xf32>
    %reduce_max3A_229 = arith.constant dense<0xFF800000> : vector<256xf32>
    %reduce_max3A_230 = vector.multi_reduction <maximumf>, %select_n3A_228, %reduce_max3A_229 [1] : vector<256x400xf32> to vector<256xf32>
    %broadcast_in_dim3A_231 = vector.shape_cast %reduce_max3A_230 : vector<256xf32> to vector<256x1xf32>
    %eq3A_232 = vector.broadcast %broadcast_in_dim3A_231 : vector<256x1xf32> to vector<256x400xf32>
    %eq3A_233 = arith.cmpf oeq, %select_n3A_228, %eq3A_232 : vector<256x400xf32>
    %jit3A_234 = arith.constant 1073741824 : i32
    %broadcast_in_dim3A_235 = vector.broadcast %jit3A_234 : i32 to vector<256x400xi32>
    %select_n3A_236 = arith.select %eq3A_233, %concatenate3A_84, %broadcast_in_dim3A_235 : vector<256x400xi1>, vector<256x400xi32>
    %reduce_min3A_237 = arith.constant dense<2147483647> : vector<256xi32>
    %reduce_min3A_238 = vector.multi_reduction <minsi>, %select_n3A_236, %reduce_min3A_237 [1] : vector<256x400xi32> to vector<256xi32>
    %broadcast_in_dim3A_239 = vector.shape_cast %reduce_min3A_238 : vector<256xi32> to vector<256x1xi32>
    %eq3A_240 = vector.broadcast %broadcast_in_dim3A_239 : vector<256x1xi32> to vector<256x400xi32>
    %eq3A_241 = arith.cmpi eq, %concatenate3A_84, %eq3A_240 : vector<256x400xi32>
    %jit3A_242 = arith.constant -1.700000e+38 : f32
    %broadcast_in_dim3A_243 = vector.broadcast %jit3A_242 : f32 to vector<256x400xf32>
    %select_n3A_244 = arith.select %eq3A_241, %broadcast_in_dim3A_243, %select_n3A_228 : vector<256x400xi1>, vector<256x400xf32>
    %slice3A = vector.extract_strided_slice %select_n3A_244 {offsets = [0, 0], sizes = [256, 128], strides = [1, 1]} : vector<256x400xf32> to vector<256x128xf32>
    %eq3A_245 = arith.constant -1.700000e+38 : f32
    %eq3A_246 = vector.broadcast %eq3A_245 : f32 to vector<256x128xf32>
    %eq3A_247 = arith.cmpf oeq, %slice3A, %eq3A_246 : vector<256x128xf32>
    %ne3A = arith.constant -1.700000e+38 : f32
    %ne3A_248 = vector.broadcast %ne3A : f32 to vector<256x128xf32>
    %ne3A_249 = arith.cmpf one, %reduce_max3A_18, %ne3A_248 : vector<256x128xf32>
    %and3A = arith.andi %eq3A_247, %ne3A_249 : vector<256x128xi1>
    %slice3A_250 = vector.extract_strided_slice %select_n3A_244 {offsets = [0, 128], sizes = [256, 128], strides = [1, 1]} : vector<256x400xf32> to vector<256x128xf32>
    %eq3A_251 = arith.constant -1.700000e+38 : f32
    %eq3A_252 = vector.broadcast %eq3A_251 : f32 to vector<256x128xf32>
    %eq3A_253 = arith.cmpf oeq, %slice3A_250, %eq3A_252 : vector<256x128xf32>
    %and3A_254 = arith.andi %and3A, %eq3A_253 : vector<256x128xi1>
    %ne3A_255 = arith.constant -1.700000e+38 : f32
    %ne3A_256 = vector.broadcast %ne3A_255 : f32 to vector<256x128xf32>
    %ne3A_257 = arith.cmpf one, %reduce_max3A_33, %ne3A_256 : vector<256x128xf32>
    %and3A_258 = arith.andi %and3A_254, %ne3A_257 : vector<256x128xi1>
    %slice3A_259 = vector.extract_strided_slice %select_n3A_244 {offsets = [0, 256], sizes = [256, 128], strides = [1, 1]} : vector<256x400xf32> to vector<256x128xf32>
    %eq3A_260 = arith.constant -1.700000e+38 : f32
    %eq3A_261 = vector.broadcast %eq3A_260 : f32 to vector<256x128xf32>
    %eq3A_262 = arith.cmpf oeq, %slice3A_259, %eq3A_261 : vector<256x128xf32>
    %and3A_263 = arith.andi %and3A_258, %eq3A_262 : vector<256x128xi1>
    %ne3A_264 = arith.constant -1.700000e+38 : f32
    %ne3A_265 = vector.broadcast %ne3A_264 : f32 to vector<256x128xf32>
    %ne3A_266 = arith.cmpf one, %reduce_max3A_49, %ne3A_265 : vector<256x128xf32>
    %and3A_267 = arith.andi %and3A_263, %ne3A_266 : vector<256x128xi1>
    %ge3A = vector.broadcast %broadcast_in_dim3A_231 : vector<256x1xf32> to vector<256x128xf32>
    %ge3A_268 = arith.cmpf oge, %reduce_max3A_65, %ge3A : vector<256x128xf32>
    %and3A_269 = arith.andi %and3A_267, %ge3A_268 : vector<256x128xi1>
    %jit3A_270 = arith.constant 1 : i32
    %jit3A_271 = arith.constant 0 : i32
    %broadcast_in_dim3A_272 = vector.broadcast %jit3A_270 : i32 to vector<256x128xi32>
    %broadcast_in_dim3A_273 = vector.broadcast %jit3A_271 : i32 to vector<256x128xi32>
    %select_n3A_274 = arith.select %and3A_269, %broadcast_in_dim3A_272, %broadcast_in_dim3A_273 : vector<256x128xi1>, vector<256x128xi32>
    %reduce_max3A_275 = vector.shape_cast %select_n3A_274 : vector<256x128xi32> to vector<1x256x128xi32>
    %reduce_max3A_276 = arith.constant dense<-2147483648> : vector<1xi32>
    %reduce_max3A_277 = vector.multi_reduction <maxsi>, %reduce_max3A_275, %reduce_max3A_276 [1, 2] : vector<1x256x128xi32> to vector<1xi32>
    %reduce_max3A_278 = vector.shape_cast %reduce_max3A_277 : vector<1xi32> to vector<1x1x1xi32>
    %reduce_max3A_279 = vector.extract %reduce_max3A_278[0, 0, 0] : i32 from vector<1x1x1xi32>
    %broadcast_in_dim3A_280 = arith.constant -1.700000e+38 : f32
    %broadcast_in_dim3A_281 = vector.broadcast %broadcast_in_dim3A_280 : f32 to vector<256x6xf32>
    %broadcast_in_dim3A_282 = arith.constant -1 : i32
    %broadcast_in_dim3A_283 = vector.broadcast %broadcast_in_dim3A_282 : i32 to vector<256x6xi32>
    %eq3A_284 = arith.constant 0 : i32
    %eq3A_285 = arith.cmpi eq, %reduce_max3A_279, %eq3A_284 : i32
    %convert_element_type3A_286 = arith.extui %eq3A_285 : i1 to i32
    %cond3A_287 = arith.constant 0 : i32
    %cond3A_288 = arith.cmpi ne, %convert_element_type3A_286, %cond3A_287 : i32
    scf.if %cond3A_288 {
      %concatenate3A_299 = tpu.concatenate %broadcast_in_dim3A_87, %broadcast_in_dim3A_103, %broadcast_in_dim3A_119, %broadcast_in_dim3A_135, %broadcast_in_dim3A_151, %broadcast_in_dim3A_167, %broadcast_in_dim3A_183, %broadcast_in_dim3A_199, %broadcast_in_dim3A_215, %broadcast_in_dim3A_231, %broadcast_in_dim3A_281 in 1 : vector<256x1xf32>, vector<256x1xf32>, vector<256x1xf32>, vector<256x1xf32>, vector<256x1xf32>, vector<256x1xf32>, vector<256x1xf32>, vector<256x1xf32>, vector<256x1xf32>, vector<256x1xf32>, vector<256x6xf32> -> vector<256x16xf32>
      %swap3A = arith.constant 0 : index
      %swap3A_300 = arith.constant 0 : index
      %swap3A_301 = vector.load %arg6[%swap3A, %swap3A_300] : memref<256x16xf32, #tpu.memory_space<vmem>>, vector<256x16xf32>
      tpu.vector_store %arg6[%swap3A, %swap3A_300], %concatenate3A_299 {strides = array<i32>} : memref<256x16xf32, #tpu.memory_space<vmem>>, vector<256x16xf32>,
      %concatenate3A_302 = tpu.concatenate %broadcast_in_dim3A_95, %broadcast_in_dim3A_111, %broadcast_in_dim3A_127, %broadcast_in_dim3A_143, %broadcast_in_dim3A_159, %broadcast_in_dim3A_175, %broadcast_in_dim3A_191, %broadcast_in_dim3A_207, %broadcast_in_dim3A_223, %broadcast_in_dim3A_239, %broadcast_in_dim3A_283 in 1 : vector<256x1xi32>, vector<256x1xi32>, vector<256x1xi32>, vector<256x1xi32>, vector<256x1xi32>, vector<256x1xi32>, vector<256x1xi32>, vector<256x1xi32>, vector<256x1xi32>, vector<256x1xi32>, vector<256x6xi32> -> vector<256x16xi32>
      %swap3A_303 = arith.constant 0 : index
      %swap3A_304 = arith.constant 0 : index
      %swap3A_305 = vector.load %arg7[%swap3A_303, %swap3A_304] : memref<256x16xi32, #tpu.memory_space<vmem>>, vector<256x16xi32>
      tpu.vector_store %arg7[%swap3A_303, %swap3A_304], %concatenate3A_302 {strides = array<i32>} : memref<256x16xi32, #tpu.memory_space<vmem>>, vector<256x16xi32>,
    } else {
    }
    %ne3A_289 = arith.constant 0 : i32
    %ne3A_290 = arith.cmpi ne, %reduce_max3A_279, %ne3A_289 : i32
    %convert_element_type3A_291 = arith.extui %ne3A_290 : i1 to i32
    %cond3A_292 = arith.constant 0 : i32
    %cond3A_293 = arith.cmpi ne, %convert_element_type3A_291, %cond3A_292 : i32
    scf.if %cond3A_293 {
      %get3A_299 = arith.constant 0 : index
      %get3A_300 = arith.constant 0 : index
      %get3A_301 = vector.load %arg6[%get3A_299, %get3A_300] : memref<256x16xf32, #tpu.memory_space<vmem>>, vector<256x16xf32>
      %concatenate3A_302 = tpu.concatenate %select_n3A, %get3A_301 in 1 : vector<256x2048xf32>, vector<256x16xf32> -> vector<256x2064xf32>
      %get3A_303 = arith.constant 0 : index
      %get3A_304 = arith.constant 0 : index
      %get3A_305 = vector.load %arg7[%get3A_303, %get3A_304] : memref<256x16xi32, #tpu.memory_space<vmem>>, vector<256x16xi32>
      %concatenate3A_306 = tpu.concatenate %add3A_9, %get3A_305 in 1 : vector<256x2048xi32>, vector<256x16xi32> -> vector<256x2064xi32>
      %reduce_max3A_307 = arith.constant dense<0xFF800000> : vector<256xf32>
      %reduce_max3A_308 = vector.multi_reduction <maximumf>, %concatenate3A_302, %reduce_max3A_307 [1] : vector<256x2064xf32> to vector<256xf32>
      %broadcast_in_dim3A_309 = vector.shape_cast %reduce_max3A_308 : vector<256xf32> to vector<256x1xf32>
      %eq3A_310 = vector.broadcast %broadcast_in_dim3A_309 : vector<256x1xf32> to vector<256x2064xf32>
      %eq3A_311 = arith.cmpf oeq, %concatenate3A_302, %eq3A_310 : vector<256x2064xf32>
      %jit3A_312 = arith.constant 1073741824 : i32
      %broadcast_in_dim3A_313 = vector.broadcast %jit3A_312 : i32 to vector<256x2064xi32>
      %select_n3A_314 = arith.select %eq3A_311, %concatenate3A_306, %broadcast_in_dim3A_313 : vector<256x2064xi1>, vector<256x2064xi32>
      %reduce_min3A_315 = arith.constant dense<2147483647> : vector<256xi32>
      %reduce_min3A_316 = vector.multi_reduction <minsi>, %select_n3A_314, %reduce_min3A_315 [1] : vector<256x2064xi32> to vector<256xi32>
      %broadcast_in_dim3A_317 = vector.shape_cast %reduce_min3A_316 : vector<256xi32> to vector<256x1xi32>
      %eq3A_318 = vector.broadcast %broadcast_in_dim3A_317 : vector<256x1xi32> to vector<256x2064xi32>
      %eq3A_319 = arith.cmpi eq, %concatenate3A_306, %eq3A_318 : vector<256x2064xi32>
      %jit3A_320 = arith.constant -1.700000e+38 : f32
      %broadcast_in_dim3A_321 = vector.broadcast %jit3A_320 : f32 to vector<256x2064xf32>
      %select_n3A_322 = arith.select %eq3A_319, %broadcast_in_dim3A_321, %concatenate3A_302 : vector<256x2064xi1>, vector<256x2064xf32>
      %reduce_max3A_323 = arith.constant dense<0xFF800000> : vector<256xf32>
      %reduce_max3A_324 = vector.multi_reduction <maximumf>, %select_n3A_322, %reduce_max3A_323 [1] : vector<256x2064xf32> to vector<256xf32>
      %broadcast_in_dim3A_325 = vector.shape_cast %reduce_max3A_324 : vector<256xf32> to vector<256x1xf32>
      %eq3A_326 = vector.broadcast %broadcast_in_dim3A_325 : vector<256x1xf32> to vector<256x2064xf32>
      %eq3A_327 = arith.cmpf oeq, %select_n3A_322, %eq3A_326 : vector<256x2064xf32>
      %jit3A_328 = arith.constant 1073741824 : i32
      %broadcast_in_dim3A_329 = vector.broadcast %jit3A_328 : i32 to vector<256x2064xi32>
      %select_n3A_330 = arith.select %eq3A_327, %concatenate3A_306, %broadcast_in_dim3A_329 : vector<256x2064xi1>, vector<256x2064xi32>
      %reduce_min3A_331 = arith.constant dense<2147483647> : vector<256xi32>
      %reduce_min3A_332 = vector.multi_reduction <minsi>, %select_n3A_330, %reduce_min3A_331 [1] : vector<256x2064xi32> to vector<256xi32>
      %broadcast_in_dim3A_333 = vector.shape_cast %reduce_min3A_332 : vector<256xi32> to vector<256x1xi32>
      %eq3A_334 = vector.broadcast %broadcast_in_dim3A_333 : vector<256x1xi32> to vector<256x2064xi32>
      %eq3A_335 = arith.cmpi eq, %concatenate3A_306, %eq3A_334 : vector<256x2064xi32>
      %jit3A_336 = arith.constant -1.700000e+38 : f32
      %broadcast_in_dim3A_337 = vector.broadcast %jit3A_336 : f32 to vector<256x2064xf32>
      %select_n3A_338 = arith.select %eq3A_335, %broadcast_in_dim3A_337, %select_n3A_322 : vector<256x2064xi1>, vector<256x2064xf32>
      %reduce_max3A_339 = arith.constant dense<0xFF800000> : vector<256xf32>
      %reduce_max3A_340 = vector.multi_reduction <maximumf>, %select_n3A_338, %reduce_max3A_339 [1] : vector<256x2064xf32> to vector<256xf32>
      %broadcast_in_dim3A_341 = vector.shape_cast %reduce_max3A_340 : vector<256xf32> to vector<256x1xf32>
      %eq3A_342 = vector.broadcast %broadcast_in_dim3A_341 : vector<256x1xf32> to vector<256x2064xf32>
      %eq3A_343 = arith.cmpf oeq, %select_n3A_338, %eq3A_342 : vector<256x2064xf32>
      %jit3A_344 = arith.constant 1073741824 : i32
      %broadcast_in_dim3A_345 = vector.broadcast %jit3A_344 : i32 to vector<256x2064xi32>
      %select_n3A_346 = arith.select %eq3A_343, %concatenate3A_306, %broadcast_in_dim3A_345 : vector<256x2064xi1>, vector<256x2064xi32>
      %reduce_min3A_347 = arith.constant dense<2147483647> : vector<256xi32>
      %reduce_min3A_348 = vector.multi_reduction <minsi>, %select_n3A_346, %reduce_min3A_347 [1] : vector<256x2064xi32> to vector<256xi32>
      %broadcast_in_dim3A_349 = vector.shape_cast %reduce_min3A_348 : vector<256xi32> to vector<256x1xi32>
      %eq3A_350 = vector.broadcast %broadcast_in_dim3A_349 : vector<256x1xi32> to vector<256x2064xi32>
      %eq3A_351 = arith.cmpi eq, %concatenate3A_306, %eq3A_350 : vector<256x2064xi32>
      %jit3A_352 = arith.constant -1.700000e+38 : f32
      %broadcast_in_dim3A_353 = vector.broadcast %jit3A_352 : f32 to vector<256x2064xf32>
      %select_n3A_354 = arith.select %eq3A_351, %broadcast_in_dim3A_353, %select_n3A_338 : vector<256x2064xi1>, vector<256x2064xf32>
      %reduce_max3A_355 = arith.constant dense<0xFF800000> : vector<256xf32>
      %reduce_max3A_356 = vector.multi_reduction <maximumf>, %select_n3A_354, %reduce_max3A_355 [1] : vector<256x2064xf32> to vector<256xf32>
      %broadcast_in_dim3A_357 = vector.shape_cast %reduce_max3A_356 : vector<256xf32> to vector<256x1xf32>
      %eq3A_358 = vector.broadcast %broadcast_in_dim3A_357 : vector<256x1xf32> to vector<256x2064xf32>
      %eq3A_359 = arith.cmpf oeq, %select_n3A_354, %eq3A_358 : vector<256x2064xf32>
      %jit3A_360 = arith.constant 1073741824 : i32
      %broadcast_in_dim3A_361 = vector.broadcast %jit3A_360 : i32 to vector<256x2064xi32>
      %select_n3A_362 = arith.select %eq3A_359, %concatenate3A_306, %broadcast_in_dim3A_361 : vector<256x2064xi1>, vector<256x2064xi32>
      %reduce_min3A_363 = arith.constant dense<2147483647> : vector<256xi32>
      %reduce_min3A_364 = vector.multi_reduction <minsi>, %select_n3A_362, %reduce_min3A_363 [1] : vector<256x2064xi32> to vector<256xi32>
      %broadcast_in_dim3A_365 = vector.shape_cast %reduce_min3A_364 : vector<256xi32> to vector<256x1xi32>
      %eq3A_366 = vector.broadcast %broadcast_in_dim3A_365 : vector<256x1xi32> to vector<256x2064xi32>
      %eq3A_367 = arith.cmpi eq, %concatenate3A_306, %eq3A_366 : vector<256x2064xi32>
      %jit3A_368 = arith.constant -1.700000e+38 : f32
      %broadcast_in_dim3A_369 = vector.broadcast %jit3A_368 : f32 to vector<256x2064xf32>
      %select_n3A_370 = arith.select %eq3A_367, %broadcast_in_dim3A_369, %select_n3A_354 : vector<256x2064xi1>, vector<256x2064xf32>
      %reduce_max3A_371 = arith.constant dense<0xFF800000> : vector<256xf32>
      %reduce_max3A_372 = vector.multi_reduction <maximumf>, %select_n3A_370, %reduce_max3A_371 [1] : vector<256x2064xf32> to vector<256xf32>
      %broadcast_in_dim3A_373 = vector.shape_cast %reduce_max3A_372 : vector<256xf32> to vector<256x1xf32>
      %eq3A_374 = vector.broadcast %broadcast_in_dim3A_373 : vector<256x1xf32> to vector<256x2064xf32>
      %eq3A_375 = arith.cmpf oeq, %select_n3A_370, %eq3A_374 : vector<256x2064xf32>
      %jit3A_376 = arith.constant 1073741824 : i32
      %broadcast_in_dim3A_377 = vector.broadcast %jit3A_376 : i32 to vector<256x2064xi32>
      %select_n3A_378 = arith.select %eq3A_375, %concatenate3A_306, %broadcast_in_dim3A_377 : vector<256x2064xi1>, vector<256x2064xi32>
      %reduce_min3A_379 = arith.constant dense<2147483647> : vector<256xi32>
      %reduce_min3A_380 = vector.multi_reduction <minsi>, %select_n3A_378, %reduce_min3A_379 [1] : vector<256x2064xi32> to vector<256xi32>
      %broadcast_in_dim3A_381 = vector.shape_cast %reduce_min3A_380 : vector<256xi32> to vector<256x1xi32>
      %eq3A_382 = vector.broadcast %broadcast_in_dim3A_381 : vector<256x1xi32> to vector<256x2064xi32>
      %eq3A_383 = arith.cmpi eq, %concatenate3A_306, %eq3A_382 : vector<256x2064xi32>
      %jit3A_384 = arith.constant -1.700000e+38 : f32
      %broadcast_in_dim3A_385 = vector.broadcast %jit3A_384 : f32 to vector<256x2064xf32>
      %select_n3A_386 = arith.select %eq3A_383, %broadcast_in_dim3A_385, %select_n3A_370 : vector<256x2064xi1>, vector<256x2064xf32>
      %reduce_max3A_387 = arith.constant dense<0xFF800000> : vector<256xf32>
      %reduce_max3A_388 = vector.multi_reduction <maximumf>, %select_n3A_386, %reduce_max3A_387 [1] : vector<256x2064xf32> to vector<256xf32>
      %broadcast_in_dim3A_389 = vector.shape_cast %reduce_max3A_388 : vector<256xf32> to vector<256x1xf32>
      %eq3A_390 = vector.broadcast %broadcast_in_dim3A_389 : vector<256x1xf32> to vector<256x2064xf32>
      %eq3A_391 = arith.cmpf oeq, %select_n3A_386, %eq3A_390 : vector<256x2064xf32>
      %jit3A_392 = arith.constant 1073741824 : i32
      %broadcast_in_dim3A_393 = vector.broadcast %jit3A_392 : i32 to vector<256x2064xi32>
      %select_n3A_394 = arith.select %eq3A_391, %concatenate3A_306, %broadcast_in_dim3A_393 : vector<256x2064xi1>, vector<256x2064xi32>
      %reduce_min3A_395 = arith.constant dense<2147483647> : vector<256xi32>
      %reduce_min3A_396 = vector.multi_reduction <minsi>, %select_n3A_394, %reduce_min3A_395 [1] : vector<256x2064xi32> to vector<256xi32>
      %broadcast_in_dim3A_397 = vector.shape_cast %reduce_min3A_396 : vector<256xi32> to vector<256x1xi32>
      %eq3A_398 = vector.broadcast %broadcast_in_dim3A_397 : vector<256x1xi32> to vector<256x2064xi32>
      %eq3A_399 = arith.cmpi eq, %concatenate3A_306, %eq3A_398 : vector<256x2064xi32>
      %jit3A_400 = arith.constant -1.700000e+38 : f32
      %broadcast_in_dim3A_401 = vector.broadcast %jit3A_400 : f32 to vector<256x2064xf32>
      %select_n3A_402 = arith.select %eq3A_399, %broadcast_in_dim3A_401, %select_n3A_386 : vector<256x2064xi1>, vector<256x2064xf32>
      %reduce_max3A_403 = arith.constant dense<0xFF800000> : vector<256xf32>
      %reduce_max3A_404 = vector.multi_reduction <maximumf>, %select_n3A_402, %reduce_max3A_403 [1] : vector<256x2064xf32> to vector<256xf32>
      %broadcast_in_dim3A_405 = vector.shape_cast %reduce_max3A_404 : vector<256xf32> to vector<256x1xf32>
      %eq3A_406 = vector.broadcast %broadcast_in_dim3A_405 : vector<256x1xf32> to vector<256x2064xf32>
      %eq3A_407 = arith.cmpf oeq, %select_n3A_402, %eq3A_406 : vector<256x2064xf32>
      %jit3A_408 = arith.constant 1073741824 : i32
      %broadcast_in_dim3A_409 = vector.broadcast %jit3A_408 : i32 to vector<256x2064xi32>
      %select_n3A_410 = arith.select %eq3A_407, %concatenate3A_306, %broadcast_in_dim3A_409 : vector<256x2064xi1>, vector<256x2064xi32>
      %reduce_min3A_411 = arith.constant dense<2147483647> : vector<256xi32>
      %reduce_min3A_412 = vector.multi_reduction <minsi>, %select_n3A_410, %reduce_min3A_411 [1] : vector<256x2064xi32> to vector<256xi32>
      %broadcast_in_dim3A_413 = vector.shape_cast %reduce_min3A_412 : vector<256xi32> to vector<256x1xi32>
      %eq3A_414 = vector.broadcast %broadcast_in_dim3A_413 : vector<256x1xi32> to vector<256x2064xi32>
      %eq3A_415 = arith.cmpi eq, %concatenate3A_306, %eq3A_414 : vector<256x2064xi32>
      %jit3A_416 = arith.constant -1.700000e+38 : f32
      %broadcast_in_dim3A_417 = vector.broadcast %jit3A_416 : f32 to vector<256x2064xf32>
      %select_n3A_418 = arith.select %eq3A_415, %broadcast_in_dim3A_417, %select_n3A_402 : vector<256x2064xi1>, vector<256x2064xf32>
      %reduce_max3A_419 = arith.constant dense<0xFF800000> : vector<256xf32>
      %reduce_max3A_420 = vector.multi_reduction <maximumf>, %select_n3A_418, %reduce_max3A_419 [1] : vector<256x2064xf32> to vector<256xf32>
      %broadcast_in_dim3A_421 = vector.shape_cast %reduce_max3A_420 : vector<256xf32> to vector<256x1xf32>
      %eq3A_422 = vector.broadcast %broadcast_in_dim3A_421 : vector<256x1xf32> to vector<256x2064xf32>
      %eq3A_423 = arith.cmpf oeq, %select_n3A_418, %eq3A_422 : vector<256x2064xf32>
      %jit3A_424 = arith.constant 1073741824 : i32
      %broadcast_in_dim3A_425 = vector.broadcast %jit3A_424 : i32 to vector<256x2064xi32>
      %select_n3A_426 = arith.select %eq3A_423, %concatenate3A_306, %broadcast_in_dim3A_425 : vector<256x2064xi1>, vector<256x2064xi32>
      %reduce_min3A_427 = arith.constant dense<2147483647> : vector<256xi32>
      %reduce_min3A_428 = vector.multi_reduction <minsi>, %select_n3A_426, %reduce_min3A_427 [1] : vector<256x2064xi32> to vector<256xi32>
      %broadcast_in_dim3A_429 = vector.shape_cast %reduce_min3A_428 : vector<256xi32> to vector<256x1xi32>
      %eq3A_430 = vector.broadcast %broadcast_in_dim3A_429 : vector<256x1xi32> to vector<256x2064xi32>
      %eq3A_431 = arith.cmpi eq, %concatenate3A_306, %eq3A_430 : vector<256x2064xi32>
      %jit3A_432 = arith.constant -1.700000e+38 : f32
      %broadcast_in_dim3A_433 = vector.broadcast %jit3A_432 : f32 to vector<256x2064xf32>
      %select_n3A_434 = arith.select %eq3A_431, %broadcast_in_dim3A_433, %select_n3A_418 : vector<256x2064xi1>, vector<256x2064xf32>
      %reduce_max3A_435 = arith.constant dense<0xFF800000> : vector<256xf32>
      %reduce_max3A_436 = vector.multi_reduction <maximumf>, %select_n3A_434, %reduce_max3A_435 [1] : vector<256x2064xf32> to vector<256xf32>
      %broadcast_in_dim3A_437 = vector.shape_cast %reduce_max3A_436 : vector<256xf32> to vector<256x1xf32>
      %eq3A_438 = vector.broadcast %broadcast_in_dim3A_437 : vector<256x1xf32> to vector<256x2064xf32>
      %eq3A_439 = arith.cmpf oeq, %select_n3A_434, %eq3A_438 : vector<256x2064xf32>
      %jit3A_440 = arith.constant 1073741824 : i32
      %broadcast_in_dim3A_441 = vector.broadcast %jit3A_440 : i32 to vector<256x2064xi32>
      %select_n3A_442 = arith.select %eq3A_439, %concatenate3A_306, %broadcast_in_dim3A_441 : vector<256x2064xi1>, vector<256x2064xi32>
      %reduce_min3A_443 = arith.constant dense<2147483647> : vector<256xi32>
      %reduce_min3A_444 = vector.multi_reduction <minsi>, %select_n3A_442, %reduce_min3A_443 [1] : vector<256x2064xi32> to vector<256xi32>
      %broadcast_in_dim3A_445 = vector.shape_cast %reduce_min3A_444 : vector<256xi32> to vector<256x1xi32>
      %eq3A_446 = vector.broadcast %broadcast_in_dim3A_445 : vector<256x1xi32> to vector<256x2064xi32>
      %eq3A_447 = arith.cmpi eq, %concatenate3A_306, %eq3A_446 : vector<256x2064xi32>
      %jit3A_448 = arith.constant -1.700000e+38 : f32
      %broadcast_in_dim3A_449 = vector.broadcast %jit3A_448 : f32 to vector<256x2064xf32>
      %select_n3A_450 = arith.select %eq3A_447, %broadcast_in_dim3A_449, %select_n3A_434 : vector<256x2064xi1>, vector<256x2064xf32>
      %reduce_max3A_451 = arith.constant dense<0xFF800000> : vector<256xf32>
      %reduce_max3A_452 = vector.multi_reduction <maximumf>, %select_n3A_450, %reduce_max3A_451 [1] : vector<256x2064xf32> to vector<256xf32>
      %broadcast_in_dim3A_453 = vector.shape_cast %reduce_max3A_452 : vector<256xf32> to vector<256x1xf32>
      %eq3A_454 = vector.broadcast %broadcast_in_dim3A_453 : vector<256x1xf32> to vector<256x2064xf32>
      %eq3A_455 = arith.cmpf oeq, %select_n3A_450, %eq3A_454 : vector<256x2064xf32>
      %jit3A_456 = arith.constant 1073741824 : i32
      %broadcast_in_dim3A_457 = vector.broadcast %jit3A_456 : i32 to vector<256x2064xi32>
      %select_n3A_458 = arith.select %eq3A_455, %concatenate3A_306, %broadcast_in_dim3A_457 : vector<256x2064xi1>, vector<256x2064xi32>
      %reduce_min3A_459 = arith.constant dense<2147483647> : vector<256xi32>
      %reduce_min3A_460 = vector.multi_reduction <minsi>, %select_n3A_458, %reduce_min3A_459 [1] : vector<256x2064xi32> to vector<256xi32>
      %broadcast_in_dim3A_461 = vector.shape_cast %reduce_min3A_460 : vector<256xi32> to vector<256x1xi32>
      %concatenate3A_462 = tpu.concatenate %broadcast_in_dim3A_309, %broadcast_in_dim3A_325, %broadcast_in_dim3A_341, %broadcast_in_dim3A_357, %broadcast_in_dim3A_373, %broadcast_in_dim3A_389, %broadcast_in_dim3A_405, %broadcast_in_dim3A_421, %broadcast_in_dim3A_437, %broadcast_in_dim3A_453, %broadcast_in_dim3A_281 in 1 : vector<256x1xf32>, vector<256x1xf32>, vector<256x1xf32>, vector<256x1xf32>, vector<256x1xf32>, vector<256x1xf32>, vector<256x1xf32>, vector<256x1xf32>, vector<256x1xf32>, vector<256x1xf32>, vector<256x6xf32> -> vector<256x16xf32>
      %swap3A = arith.constant 0 : index
      %swap3A_463 = arith.constant 0 : index
      %swap3A_464 = vector.load %arg6[%swap3A, %swap3A_463] : memref<256x16xf32, #tpu.memory_space<vmem>>, vector<256x16xf32>
      tpu.vector_store %arg6[%swap3A, %swap3A_463], %concatenate3A_462 {strides = array<i32>} : memref<256x16xf32, #tpu.memory_space<vmem>>, vector<256x16xf32>,
      %concatenate3A_465 = tpu.concatenate %broadcast_in_dim3A_317, %broadcast_in_dim3A_333, %broadcast_in_dim3A_349, %broadcast_in_dim3A_365, %broadcast_in_dim3A_381, %broadcast_in_dim3A_397, %broadcast_in_dim3A_413, %broadcast_in_dim3A_429, %broadcast_in_dim3A_445, %broadcast_in_dim3A_461, %broadcast_in_dim3A_283 in 1 : vector<256x1xi32>, vector<256x1xi32>, vector<256x1xi32>, vector<256x1xi32>, vector<256x1xi32>, vector<256x1xi32>, vector<256x1xi32>, vector<256x1xi32>, vector<256x1xi32>, vector<256x1xi32>, vector<256x6xi32> -> vector<256x16xi32>
      %swap3A_466 = arith.constant 0 : index
      %swap3A_467 = arith.constant 0 : index
      %swap3A_468 = vector.load %arg7[%swap3A_466, %swap3A_467] : memref<256x16xi32, #tpu.memory_space<vmem>>, vector<256x16xi32>
      tpu.vector_store %arg7[%swap3A_466, %swap3A_467], %concatenate3A_465 {strides = array<i32>} : memref<256x16xi32, #tpu.memory_space<vmem>>, vector<256x16xi32>,
    } else {
    }
    %eq3A_294 = arith.constant 48 : i32
    %eq3A_295 = arith.cmpi eq, %arg1, %eq3A_294 : i32
    %convert_element_type3A_296 = arith.extui %eq3A_295 : i1 to i32
    %cond3A_297 = arith.constant 0 : i32
    %cond3A_298 = arith.cmpi ne, %convert_element_type3A_296, %cond3A_297 : i32
    scf.if %cond3A_298 {
      %get3A_299 = arith.constant 0 : index
      %get3A_300 = arith.constant 0 : index
      %get3A_301 = vector.load %arg6[%get3A_299, %get3A_300] : memref<256x16xf32, #tpu.memory_space<vmem>>, vector<256x10xf32>
      %swap3A = arith.constant 0 : index
      %swap3A_302 = arith.constant 0 : index
      %swap3A_303 = vector.load %arg4[%swap3A, %swap3A_302] : memref<256x10xf32, #tpu.memory_space<vmem>>, vector<256x10xf32>
      tpu.vector_store %arg4[%swap3A, %swap3A_302], %get3A_301 {strides = array<i32>} : memref<256x10xf32, #tpu.memory_space<vmem>>, vector<256x10xf32>,
      %get3A_304 = arith.constant 0 : index
      %get3A_305 = arith.constant 0 : index
      %get3A_306 = vector.load %arg7[%get3A_304, %get3A_305] : memref<256x16xi32, #tpu.memory_space<vmem>>, vector<256x10xi32>
      %swap3A_307 = arith.constant 0 : index
      %swap3A_308 = arith.constant 0 : index
      %swap3A_309 = vector.load %arg5[%swap3A_307, %swap3A_308] : memref<256x10xi32, #tpu.memory_space<vmem>>, vector<256x10xi32>
      tpu.vector_store %arg5[%swap3A_307, %swap3A_308], %get3A_306 {strides = array<i32>} : memref<256x10xi32, #tpu.memory_space<vmem>>, vector<256x10xi32>,
    } else {
    }
    return
  }
  func.func @transform_0(%arg0: i32, %arg1: i32) -> (i32, i32) {
    %c0_i32 = arith.constant 0 : i32
    %c0_i32_0 = arith.constant 0 : i32
    return %arg0, %c0_i32 : i32, i32
  }
  func.func @transform_1(%arg0: i32, %arg1: i32) -> (i32, i32) {
    %c0_i32 = arith.constant 0 : i32
    %c0_i32_0 = arith.constant 0 : i32
    return %arg1, %c0_i32 : i32, i32
  }
  func.func @transform_2(%arg0: i32, %arg1: i32) -> (i32, i32) {
    %c0_i32 = arith.constant 0 : i32
    %c0_i32_0 = arith.constant 0 : i32
    return %arg0, %c0_i32 : i32, i32
  }
  func.func @transform_3(%arg0: i32, %arg1: i32) -> (i32, i32) {
    %c0_i32 = arith.constant 0 : i32
    %c0_i32_0 = arith.constant 0 : i32
    return %arg0, %c0_i32 : i32, i32
  }
}

module attributes {stable_mosaic.version = 14 : i64} {
  func.func @_epilogue_body(%arg0: i32, %arg1: memref<128x128xf32, #tpu.memory_space<vmem>>, %arg2: memref<1280x128xf32, #tpu.memory_space<vmem>>, %arg3: memref<128x10xi32, #tpu.memory_space<vmem>>, %arg4: memref<1280x10xf32, #tpu.memory_space<vmem>>, %arg5: memref<12800x128xf32, #tpu.memory_space<vmem>>, %arg6: memref<128x3xi32, #tpu.memory_space<vmem>>, %arg7: memref<128x3xf32, #tpu.memory_space<vmem>>) attributes {dimension_semantics = [#tpu.dimension_semantics<arbitrary>], iteration_bounds = array<i64: 8>, scalar_prefetch = 0 : i64, scratch_operands = 0 : i64, tpu.core_type = #tpu.core_type<tc>, window_params = [{transform_indices = @transform_0, window_bounds = array<i64: 128, 128>}, {transform_indices = @transform_1, window_bounds = array<i64: 1280, 128>}, {transform_indices = @transform_2, window_bounds = array<i64: 128, 10>}, {transform_indices = @transform_3, window_bounds = array<i64: 1280, 10>}, {transform_indices = @transform_4, window_bounds = array<i64: 12800, 128>}, {transform_indices = @transform_5, window_bounds = array<i64: 128, 3>}, {transform_indices = @transform_6, window_bounds = array<i64: 128, 3>}]} {
    %get3A = arith.constant 0 : index
    %get3A_0 = arith.constant 0 : index
    %get3A_1 = vector.load %arg1[%get3A, %get3A_0] : memref<128x128xf32, #tpu.memory_space<vmem>>, vector<128x128xf32>
    %get3A_2 = arith.constant 0 : index
    %get3A_3 = arith.constant 0 : index
    %get3A_4 = vector.load %arg2[%get3A_2, %get3A_3] : memref<1280x128xf32, #tpu.memory_space<vmem>>, vector<1280x128xf32>
    %reshape3A = vector.shape_cast %get3A_4 : vector<1280x128xf32> to vector<128x10x128xf32>
    %get3A_5 = arith.constant 0 : index
    %get3A_6 = arith.constant 0 : index
    %get3A_7 = vector.load %arg4[%get3A_5, %get3A_6] : memref<1280x10xf32, #tpu.memory_space<vmem>>, vector<1280x10xf32>
    %get3A_8 = arith.constant 0 : index
    %get3A_9 = arith.constant 0 : index
    %get3A_10 = vector.load %arg5[%get3A_8, %get3A_9] : memref<12800x128xf32, #tpu.memory_space<vmem>>, vector<12800x128xf32>
    %reshape3A_11 = vector.shape_cast %get3A_10 : vector<12800x128xf32> to vector<1280x10x128xf32>
    %slice3A = vector.extract_strided_slice %reshape3A {offsets = [0, 0, 0], sizes = [128, 9, 128], strides = [1, 1, 1]} : vector<128x10x128xf32> to vector<128x9x128xf32>
    %reduce_max3A = arith.constant dense<0xFF800000> : vector<128x128xf32>
    %reduce_max3A_12 = vector.multi_reduction <maximumf>, %slice3A, %reduce_max3A [1] : vector<128x9x128xf32> to vector<128x128xf32>
    %max3A = arith.maximumf %get3A_1, %reduce_max3A_12 : vector<128x128xf32>
    %mul3A = arith.mulf %max3A, %max3A : vector<128x128xf32>
    %reduce_sum3A = arith.constant dense<0.000000e+00> : vector<128xf32>
    %reduce_sum3A_13 = vector.multi_reduction <add>, %mul3A, %reduce_sum3A [1] : vector<128x128xf32> to vector<128xf32>
    %broadcast_in_dim3A = vector.shape_cast %reduce_sum3A_13 : vector<128xf32> to vector<128x1xf32>
    %max3A_14 = arith.constant 1.000000e-24 : f32
    %max3A_15 = vector.broadcast %max3A_14 : f32 to vector<128x1xf32>
    %max3A_16 = arith.maximumf %broadcast_in_dim3A, %max3A_15 : vector<128x1xf32>
    %rsqrt3A = math.rsqrt %max3A_16 : vector<128x1xf32>
    %mul3A_17 = arith.constant 5.000000e-01 : f32
    %mul3A_18 = vector.broadcast %mul3A_17 : f32 to vector<128x1xf32>
    %mul3A_19 = arith.mulf %mul3A_18, %max3A_16 : vector<128x1xf32>
    %mul3A_20 = arith.mulf %mul3A_19, %rsqrt3A : vector<128x1xf32>
    %mul3A_21 = arith.mulf %mul3A_20, %rsqrt3A : vector<128x1xf32>
    %sub3A = arith.constant 1.500000e+00 : f32
    %sub3A_22 = vector.broadcast %sub3A : f32 to vector<128x1xf32>
    %sub3A_23 = arith.subf %sub3A_22, %mul3A_21 : vector<128x1xf32>
    %mul3A_24 = arith.mulf %rsqrt3A, %sub3A_23 : vector<128x1xf32>
    %mul3A_25 = arith.constant 5.000000e-01 : f32
    %mul3A_26 = vector.broadcast %mul3A_25 : f32 to vector<128x1xf32>
    %mul3A_27 = arith.mulf %mul3A_26, %max3A_16 : vector<128x1xf32>
    %mul3A_28 = arith.mulf %mul3A_27, %mul3A_24 : vector<128x1xf32>
    %mul3A_29 = arith.mulf %mul3A_28, %mul3A_24 : vector<128x1xf32>
    %sub3A_30 = arith.constant 1.500000e+00 : f32
    %sub3A_31 = vector.broadcast %sub3A_30 : f32 to vector<128x1xf32>
    %sub3A_32 = arith.subf %sub3A_31, %mul3A_29 : vector<128x1xf32>
    %mul3A_33 = arith.mulf %mul3A_24, %sub3A_32 : vector<128x1xf32>
    %mul3A_34 = vector.broadcast %mul3A_33 : vector<128x1xf32> to vector<128x128xf32>
    %mul3A_35 = arith.mulf %max3A, %mul3A_34 : vector<128x128xf32>
    %mul3A_36 = arith.constant 2.000000e+00 : f32
    %mul3A_37 = vector.broadcast %mul3A_36 : f32 to vector<1280x10xf32>
    %mul3A_38 = arith.mulf %get3A_7, %mul3A_37 : vector<1280x10xf32>
    %broadcast_in_dim3A_39 = vector.shape_cast %get3A_1 : vector<128x128xf32> to vector<128x1x128xf32>
    %broadcast_in_dim3A_40 = vector.shape_cast %broadcast_in_dim3A_39 : vector<128x1x128xf32> to vector<128x1x128xf32>
    %broadcast_in_dim3A_41 = vector.broadcast %broadcast_in_dim3A_40 : vector<128x1x128xf32> to vector<128x10x128xf32>
    %reshape3A_42 = vector.shape_cast %broadcast_in_dim3A_41 : vector<128x10x128xf32> to vector<1280x128xf32>
    %broadcast_in_dim3A_43 = vector.shape_cast %mul3A_38 : vector<1280x10xf32> to vector<1280x10x1xf32>
    %mul3A_44 = vector.broadcast %broadcast_in_dim3A_43 : vector<1280x10x1xf32> to vector<1280x10x128xf32>
    %mul3A_45 = arith.mulf %reshape3A_11, %mul3A_44 : vector<1280x10x128xf32>
    %reduce_sum3A_46 = arith.constant dense<0.000000e+00> : vector<1280x128xf32>
    %reduce_sum3A_47 = vector.multi_reduction <add>, %mul3A_45, %reduce_sum3A_46 [1] : vector<1280x10x128xf32> to vector<1280x128xf32>
    %mul3A_48 = arith.constant 2.000000e+00 : f32
    %mul3A_49 = vector.broadcast %mul3A_48 : f32 to vector<1280x128xf32>
    %mul3A_50 = arith.mulf %mul3A_49, %reshape3A_42 : vector<1280x128xf32>
    %add3A = arith.addf %reduce_sum3A_47, %mul3A_50 : vector<1280x128xf32>
    %reduce_sum3A_51 = arith.constant dense<0.000000e+00> : vector<1280xf32>
    %reduce_sum3A_52 = vector.multi_reduction <add>, %mul3A_38, %reduce_sum3A_51 [1] : vector<1280x10xf32> to vector<1280xf32>
    %broadcast_in_dim3A_53 = vector.shape_cast %reduce_sum3A_52 : vector<1280xf32> to vector<1280x1xf32>
    %add3A_54 = arith.constant 3.000000e+00 : f32
    %add3A_55 = vector.broadcast %add3A_54 : f32 to vector<1280x1xf32>
    %add3A_56 = arith.addf %add3A_55, %broadcast_in_dim3A_53 : vector<1280x1xf32>
    %ge3A = arith.constant 0.000000e+00 : f32
    %ge3A_57 = vector.broadcast %ge3A : f32 to vector<1280x1xf32>
    %ge3A_58 = arith.cmpf oge, %add3A_56, %ge3A_57 : vector<1280x1xf32>
    %jit3A = arith.constant 1.000000e+00 : f32
    %jit3A_59 = arith.constant -1.000000e+00 : f32
    %broadcast_in_dim3A_60 = vector.broadcast %jit3A : f32 to vector<1280x1xf32>
    %broadcast_in_dim3A_61 = vector.broadcast %jit3A_59 : f32 to vector<1280x1xf32>
    %select_n3A = arith.select %ge3A_58, %broadcast_in_dim3A_60, %broadcast_in_dim3A_61 : vector<1280x1xi1>, vector<1280x1xf32>
    %mul3A_62 = arith.mulf %add3A, %add3A : vector<1280x128xf32>
    %reduce_sum3A_63 = arith.constant dense<0.000000e+00> : vector<1280xf32>
    %reduce_sum3A_64 = vector.multi_reduction <add>, %mul3A_62, %reduce_sum3A_63 [1] : vector<1280x128xf32> to vector<1280xf32>
    %broadcast_in_dim3A_65 = vector.shape_cast %reduce_sum3A_64 : vector<1280xf32> to vector<1280x1xf32>
    %max3A_66 = arith.constant 1.000000e-24 : f32
    %max3A_67 = vector.broadcast %max3A_66 : f32 to vector<1280x1xf32>
    %max3A_68 = arith.maximumf %broadcast_in_dim3A_65, %max3A_67 : vector<1280x1xf32>
    %rsqrt3A_69 = math.rsqrt %max3A_68 : vector<1280x1xf32>
    %mul3A_70 = arith.constant 5.000000e-01 : f32
    %mul3A_71 = vector.broadcast %mul3A_70 : f32 to vector<1280x1xf32>
    %mul3A_72 = arith.mulf %mul3A_71, %max3A_68 : vector<1280x1xf32>
    %mul3A_73 = arith.mulf %mul3A_72, %rsqrt3A_69 : vector<1280x1xf32>
    %mul3A_74 = arith.mulf %mul3A_73, %rsqrt3A_69 : vector<1280x1xf32>
    %sub3A_75 = arith.constant 1.500000e+00 : f32
    %sub3A_76 = vector.broadcast %sub3A_75 : f32 to vector<1280x1xf32>
    %sub3A_77 = arith.subf %sub3A_76, %mul3A_74 : vector<1280x1xf32>
    %mul3A_78 = arith.mulf %rsqrt3A_69, %sub3A_77 : vector<1280x1xf32>
    %mul3A_79 = arith.constant 5.000000e-01 : f32
    %mul3A_80 = vector.broadcast %mul3A_79 : f32 to vector<1280x1xf32>
    %mul3A_81 = arith.mulf %mul3A_80, %max3A_68 : vector<1280x1xf32>
    %mul3A_82 = arith.mulf %mul3A_81, %mul3A_78 : vector<1280x1xf32>
    %mul3A_83 = arith.mulf %mul3A_82, %mul3A_78 : vector<1280x1xf32>
    %sub3A_84 = arith.constant 1.500000e+00 : f32
    %sub3A_85 = vector.broadcast %sub3A_84 : f32 to vector<1280x1xf32>
    %sub3A_86 = arith.subf %sub3A_85, %mul3A_83 : vector<1280x1xf32>
    %mul3A_87 = arith.mulf %mul3A_78, %sub3A_86 : vector<1280x1xf32>
    %mul3A_88 = arith.mulf %select_n3A, %mul3A_87 : vector<1280x1xf32>
    %mul3A_89 = vector.broadcast %mul3A_88 : vector<1280x1xf32> to vector<1280x128xf32>
    %mul3A_90 = arith.mulf %add3A, %mul3A_89 : vector<1280x128xf32>
    %convert_element_type3A = arith.truncf %mul3A_90 : vector<1280x128xf32> to vector<1280x128xbf16>
    %convert_element_type3A_91 = arith.extf %convert_element_type3A : vector<1280x128xbf16> to vector<1280x128xf32>
    %convert_element_type3A_92 = arith.truncf %reshape3A_42 : vector<1280x128xf32> to vector<1280x128xbf16>
    %convert_element_type3A_93 = arith.extf %convert_element_type3A_92 : vector<1280x128xbf16> to vector<1280x128xf32>
    %mul3A_94 = arith.mulf %convert_element_type3A_91, %convert_element_type3A_93 : vector<1280x128xf32>
    %reduce_sum3A_95 = arith.constant dense<0.000000e+00> : vector<1280xf32>
    %reduce_sum3A_96 = vector.multi_reduction <add>, %mul3A_94, %reduce_sum3A_95 [1] : vector<1280x128xf32> to vector<1280xf32>
    %reshape3A_97 = vector.shape_cast %convert_element_type3A_91 : vector<1280x128xf32> to vector<128x10x128xf32>
    %convert_element_type3A_98 = arith.truncf %mul3A_35 : vector<128x128xf32> to vector<128x128xbf16>
    %convert_element_type3A_99 = arith.extf %convert_element_type3A_98 : vector<128x128xbf16> to vector<128x128xf32>
    %broadcast_in_dim3A_100 = vector.shape_cast %convert_element_type3A_99 : vector<128x128xf32> to vector<128x1x128xf32>
    %mul3A_101 = vector.broadcast %broadcast_in_dim3A_100 : vector<128x1x128xf32> to vector<128x10x128xf32>
    %mul3A_102 = arith.mulf %reshape3A_97, %mul3A_101 : vector<128x10x128xf32>
    %reduce_sum3A_103 = arith.constant dense<0.000000e+00> : vector<128x10xf32>
    %reduce_sum3A_104 = vector.multi_reduction <add>, %mul3A_102, %reduce_sum3A_103 [2] : vector<128x10x128xf32> to vector<128x10xf32>
    %reshape3A_105 = vector.shape_cast %reduce_sum3A_104 : vector<128x10xf32> to vector<1280xf32>
    %add3A_106 = arith.addf %reduce_sum3A_96, %reshape3A_105 : vector<1280xf32>
    %mul3A_107 = arith.constant 5.000000e-01 : f32
    %mul3A_108 = vector.broadcast %mul3A_107 : f32 to vector<1280xf32>
    %mul3A_109 = arith.mulf %mul3A_108, %add3A_106 : vector<1280xf32>
    %reshape3A_110 = vector.shape_cast %mul3A_109 : vector<1280xf32> to vector<128x10xf32>
    %get3A_111 = arith.constant 0 : index
    %get3A_112 = arith.constant 0 : index
    %get3A_113 = vector.load %arg3[%get3A_111, %get3A_112] : memref<128x10xi32, #tpu.memory_space<vmem>>, vector<128x10xi32>
    %iota3A = tpu.iota {dimensions = array<i32: 1>} : vector<128x10xi32>
    %reduce_max3A_114 = arith.constant dense<0xFF800000> : vector<128xf32>
    %reduce_max3A_115 = vector.multi_reduction <maximumf>, %reshape3A_110, %reduce_max3A_114 [1] : vector<128x10xf32> to vector<128xf32>
    %broadcast_in_dim3A_116 = vector.shape_cast %reduce_max3A_115 : vector<128xf32> to vector<128x1xf32>
    %eq3A = vector.broadcast %broadcast_in_dim3A_116 : vector<128x1xf32> to vector<128x10xf32>
    %eq3A_117 = arith.cmpf oeq, %reshape3A_110, %eq3A : vector<128x10xf32>
    %jit3A_118 = arith.constant 1073741824 : i32
    %broadcast_in_dim3A_119 = vector.broadcast %jit3A_118 : i32 to vector<128x10xi32>
    %select_n3A_120 = arith.select %eq3A_117, %iota3A, %broadcast_in_dim3A_119 : vector<128x10xi1>, vector<128x10xi32>
    %reduce_min3A = arith.constant dense<2147483647> : vector<128xi32>
    %reduce_min3A_121 = vector.multi_reduction <minsi>, %select_n3A_120, %reduce_min3A [1] : vector<128x10xi32> to vector<128xi32>
    %broadcast_in_dim3A_122 = vector.shape_cast %reduce_min3A_121 : vector<128xi32> to vector<128x1xi32>
    %eq3A_123 = vector.broadcast %broadcast_in_dim3A_122 : vector<128x1xi32> to vector<128x10xi32>
    %eq3A_124 = arith.cmpi eq, %iota3A, %eq3A_123 : vector<128x10xi32>
    %jit3A_125 = arith.constant 0 : i32
    %broadcast_in_dim3A_126 = vector.broadcast %jit3A_125 : i32 to vector<128x10xi32>
    %select_n3A_127 = arith.select %eq3A_124, %get3A_113, %broadcast_in_dim3A_126 : vector<128x10xi1>, vector<128x10xi32>
    %reduce_sum3A_128 = arith.constant dense<0> : vector<128xi32>
    %reduce_sum3A_129 = vector.multi_reduction <add>, %select_n3A_127, %reduce_sum3A_128 [1] : vector<128x10xi32> to vector<128xi32>
    %broadcast_in_dim3A_130 = vector.shape_cast %reduce_sum3A_129 : vector<128xi32> to vector<128x1xi32>
    %eq3A_131 = vector.broadcast %broadcast_in_dim3A_122 : vector<128x1xi32> to vector<128x10xi32>
    %eq3A_132 = arith.cmpi eq, %iota3A, %eq3A_131 : vector<128x10xi32>
    %jit3A_133 = arith.constant -1.700000e+38 : f32
    %broadcast_in_dim3A_134 = vector.broadcast %jit3A_133 : f32 to vector<128x10xf32>
    %select_n3A_135 = arith.select %eq3A_132, %broadcast_in_dim3A_134, %reshape3A_110 : vector<128x10xi1>, vector<128x10xf32>
    %reduce_max3A_136 = arith.constant dense<0xFF800000> : vector<128xf32>
    %reduce_max3A_137 = vector.multi_reduction <maximumf>, %select_n3A_135, %reduce_max3A_136 [1] : vector<128x10xf32> to vector<128xf32>
    %broadcast_in_dim3A_138 = vector.shape_cast %reduce_max3A_137 : vector<128xf32> to vector<128x1xf32>
    %eq3A_139 = vector.broadcast %broadcast_in_dim3A_138 : vector<128x1xf32> to vector<128x10xf32>
    %eq3A_140 = arith.cmpf oeq, %select_n3A_135, %eq3A_139 : vector<128x10xf32>
    %jit3A_141 = arith.constant 1073741824 : i32
    %broadcast_in_dim3A_142 = vector.broadcast %jit3A_141 : i32 to vector<128x10xi32>
    %select_n3A_143 = arith.select %eq3A_140, %iota3A, %broadcast_in_dim3A_142 : vector<128x10xi1>, vector<128x10xi32>
    %reduce_min3A_144 = arith.constant dense<2147483647> : vector<128xi32>
    %reduce_min3A_145 = vector.multi_reduction <minsi>, %select_n3A_143, %reduce_min3A_144 [1] : vector<128x10xi32> to vector<128xi32>
    %broadcast_in_dim3A_146 = vector.shape_cast %reduce_min3A_145 : vector<128xi32> to vector<128x1xi32>
    %eq3A_147 = vector.broadcast %broadcast_in_dim3A_146 : vector<128x1xi32> to vector<128x10xi32>
    %eq3A_148 = arith.cmpi eq, %iota3A, %eq3A_147 : vector<128x10xi32>
    %jit3A_149 = arith.constant 0 : i32
    %broadcast_in_dim3A_150 = vector.broadcast %jit3A_149 : i32 to vector<128x10xi32>
    %select_n3A_151 = arith.select %eq3A_148, %get3A_113, %broadcast_in_dim3A_150 : vector<128x10xi1>, vector<128x10xi32>
    %reduce_sum3A_152 = arith.constant dense<0> : vector<128xi32>
    %reduce_sum3A_153 = vector.multi_reduction <add>, %select_n3A_151, %reduce_sum3A_152 [1] : vector<128x10xi32> to vector<128xi32>
    %broadcast_in_dim3A_154 = vector.shape_cast %reduce_sum3A_153 : vector<128xi32> to vector<128x1xi32>
    %eq3A_155 = vector.broadcast %broadcast_in_dim3A_146 : vector<128x1xi32> to vector<128x10xi32>
    %eq3A_156 = arith.cmpi eq, %iota3A, %eq3A_155 : vector<128x10xi32>
    %jit3A_157 = arith.constant -1.700000e+38 : f32
    %broadcast_in_dim3A_158 = vector.broadcast %jit3A_157 : f32 to vector<128x10xf32>
    %select_n3A_159 = arith.select %eq3A_156, %broadcast_in_dim3A_158, %select_n3A_135 : vector<128x10xi1>, vector<128x10xf32>
    %reduce_max3A_160 = arith.constant dense<0xFF800000> : vector<128xf32>
    %reduce_max3A_161 = vector.multi_reduction <maximumf>, %select_n3A_159, %reduce_max3A_160 [1] : vector<128x10xf32> to vector<128xf32>
    %broadcast_in_dim3A_162 = vector.shape_cast %reduce_max3A_161 : vector<128xf32> to vector<128x1xf32>
    %eq3A_163 = vector.broadcast %broadcast_in_dim3A_162 : vector<128x1xf32> to vector<128x10xf32>
    %eq3A_164 = arith.cmpf oeq, %select_n3A_159, %eq3A_163 : vector<128x10xf32>
    %jit3A_165 = arith.constant 1073741824 : i32
    %broadcast_in_dim3A_166 = vector.broadcast %jit3A_165 : i32 to vector<128x10xi32>
    %select_n3A_167 = arith.select %eq3A_164, %iota3A, %broadcast_in_dim3A_166 : vector<128x10xi1>, vector<128x10xi32>
    %reduce_min3A_168 = arith.constant dense<2147483647> : vector<128xi32>
    %reduce_min3A_169 = vector.multi_reduction <minsi>, %select_n3A_167, %reduce_min3A_168 [1] : vector<128x10xi32> to vector<128xi32>
    %broadcast_in_dim3A_170 = vector.shape_cast %reduce_min3A_169 : vector<128xi32> to vector<128x1xi32>
    %eq3A_171 = vector.broadcast %broadcast_in_dim3A_170 : vector<128x1xi32> to vector<128x10xi32>
    %eq3A_172 = arith.cmpi eq, %iota3A, %eq3A_171 : vector<128x10xi32>
    %jit3A_173 = arith.constant 0 : i32
    %broadcast_in_dim3A_174 = vector.broadcast %jit3A_173 : i32 to vector<128x10xi32>
    %select_n3A_175 = arith.select %eq3A_172, %get3A_113, %broadcast_in_dim3A_174 : vector<128x10xi1>, vector<128x10xi32>
    %reduce_sum3A_176 = arith.constant dense<0> : vector<128xi32>
    %reduce_sum3A_177 = vector.multi_reduction <add>, %select_n3A_175, %reduce_sum3A_176 [1] : vector<128x10xi32> to vector<128xi32>
    %broadcast_in_dim3A_178 = vector.shape_cast %reduce_sum3A_177 : vector<128xi32> to vector<128x1xi32>
    %concatenate3A = tpu.concatenate %broadcast_in_dim3A_116, %broadcast_in_dim3A_138, %broadcast_in_dim3A_162 in 1 : vector<128x1xf32>, vector<128x1xf32>, vector<128x1xf32> -> vector<128x3xf32>
    %swap3A = arith.constant 0 : index
    %swap3A_179 = arith.constant 0 : index
    %swap3A_180 = vector.load %arg7[%swap3A, %swap3A_179] : memref<128x3xf32, #tpu.memory_space<vmem>>, vector<128x3xf32>
    tpu.vector_store %arg7[%swap3A, %swap3A_179], %concatenate3A {strides = array<i32>} : memref<128x3xf32, #tpu.memory_space<vmem>>, vector<128x3xf32>,
    %concatenate3A_181 = tpu.concatenate %broadcast_in_dim3A_130, %broadcast_in_dim3A_154, %broadcast_in_dim3A_178 in 1 : vector<128x1xi32>, vector<128x1xi32>, vector<128x1xi32> -> vector<128x3xi32>
    %swap3A_182 = arith.constant 0 : index
    %swap3A_183 = arith.constant 0 : index
    %swap3A_184 = vector.load %arg6[%swap3A_182, %swap3A_183] : memref<128x3xi32, #tpu.memory_space<vmem>>, vector<128x3xi32>
    tpu.vector_store %arg6[%swap3A_182, %swap3A_183], %concatenate3A_181 {strides = array<i32>} : memref<128x3xi32, #tpu.memory_space<vmem>>, vector<128x3xi32>,
    return
  }
  func.func @transform_0(%arg0: i32) -> (i32, i32) {
    %c0_i32 = arith.constant 0 : i32
    %c0_i32_0 = arith.constant 0 : i32
    return %arg0, %c0_i32 : i32, i32
  }
  func.func @transform_1(%arg0: i32) -> (i32, i32) {
    %c0_i32 = arith.constant 0 : i32
    %c0_i32_0 = arith.constant 0 : i32
    return %arg0, %c0_i32 : i32, i32
  }
  func.func @transform_2(%arg0: i32) -> (i32, i32) {
    %c0_i32 = arith.constant 0 : i32
    %c0_i32_0 = arith.constant 0 : i32
    return %arg0, %c0_i32 : i32, i32
  }
  func.func @transform_3(%arg0: i32) -> (i32, i32) {
    %c0_i32 = arith.constant 0 : i32
    %c0_i32_0 = arith.constant 0 : i32
    return %arg0, %c0_i32 : i32, i32
  }
  func.func @transform_4(%arg0: i32) -> (i32, i32) {
    %c0_i32 = arith.constant 0 : i32
    %c0_i32_0 = arith.constant 0 : i32
    return %arg0, %c0_i32 : i32, i32
  }
  func.func @transform_5(%arg0: i32) -> (i32, i32) {
    %c0_i32 = arith.constant 0 : i32
    %c0_i32_0 = arith.constant 0 : i32
    return %arg0, %c0_i32 : i32, i32
  }
  func.func @transform_6(%arg0: i32) -> (i32, i32) {
    %c0_i32 = arith.constant 0 : i32
    %c0_i32_0 = arith.constant 0 : i32
    return %arg0, %c0_i32 : i32, i32
  }
}

</mosaic_0001>

<sc_bundles>
// kernel: kernel.10.cloned.1.call-start
scs
__scs_entry_jumppad:
0x0: {  	(pc) =	sbr.rel $0x88, $3  }
0x1: {  	(tag) =	ssettag $0x0;
	lr =	simm.s32 $0x1  }
0x2: {  	[smem:$0x3F9F] =	sst lr;
	_ =	strace $0xD0000000  }
0x3: {  	_ = 	snop  }
0x4: {  	_ = 	snop  }
0x5: {  	_ = 	snop  }
0x6: {  	_ = 	snop  }
0x7: {  	_ = 	snop  }
__scs_overlays_trampoline_lowered:
0x8: {  	[smem:$0x3FAE] =	sst s0  }
0x9: {  	[smem:$0x3FAF] =	sst s1  }
0xa: {  	[smem:$0x3FB0] =	sst s2  }
0xb: {  	[smem:$0x3FB1] =	sst s3  }
0xc: {  	[smem:$0x3FB2] =	sst s4  }
0xd: {  	[smem:$0x3FB3] =	sst s5  }
0xe: {  	[smem:$0x3FB4] =	sst s6  }
0xf: {  	[smem:$0x3FB5] =	sst s7  }
0x10: {  	[smem:$0x3FB6] =	sst s8  }
0x11: {  	[smem:$0x3FB7] =	sst s9;
	s0 =	simm.s32 @!p0 $0x0  }
0x12: {  	s1 =	sld [smem:$0x3F9D];
	s0 =	simm.s32 @p0 $0x1  }
0x13: {  	[smem:$0x3FB8] =	sst s0;
	s0 =	simm.s32 @!p1 $0x0  }
0x14: {  	s2 =	sld [smem:$0x3F9C];
	s0 =	simm.s32 @p1 $0x1  }
0x15: {  	[smem:$0x3FB9] =	sst s0;
	s0 =	simm.s32 @!p2 $0x0  }
0x16: {  	s3 =	sld [smem:$0x3FDB];
	s0 =	simm.s32 @p2 $0x1  }
0x17: {  	s4 =	simm.s32 $0x1BF5;
	[smem:$0x3FBB] =	sst s0  }
0x18: {  	s0 =	sld [smem:$0x3F9E];
	_ =	swait.ge [sflag:s4], $0x0  }
0x19: {  	s7 =	sld [smem:$0x3F9F]  }
0x1a: {  	s8 =	sadd.s32 $0xFFFFE003, lr  }
0x1b: {  	s9 =	sadd.s32 $0xFFFFFEF7, lr;
	s5 =	simm.s32 $0xFFFFFFFF;
	p2 =	slt.u32 s8, $0xFFFFF086  }
0x1c: {  	p1 =	slt.u32 s9, $0xF7A;
	s5 =	simm.s32 @!p2 $0x0  }
0x1d: {  	s5 =	simm.s32 @p1 $0x1;
	p0 =	seq.s32 s7, s2  }
0x1e: {  	s7 =	smul.u32 @!p0 $0xF7A, s2;
	p2 =	seq.s32 @!p0 s5, $0x0  }
0x1f: {  	s9 =	smul.u32 $0xF7A, s1;
	s8 =	simm.s32 @!p0 $0x1BF5;
	p2 =	por !p2, p0  }
0x20: {  	[sflag:s8] =	ssyncset.s32 @!p0 $0xFFFFF086;
	s6 =	sadd.s32 @!p0 s3, s7;
	s7 =	simm.s32 @!p0 $0x108  }
0x21: {  	s3 =	sadd.s32 s3, s9;
	s6 =	sadd.s32 @!p0 $0x88, s6;
	s7 =	simm.s32 @p2 $0x1082  }
0x22: {  	[simem:s7], [sflag:s8] =	dma.local @!p0 [hbm:s6], $0xF7A  }
0x23: {  	s9 =	sor.u32 $0xD0000000, s2;
	s6 =	simm.s32 $0x108;
	_ =	swait.ge @!p0 [sflag:s8], $0x0  }
0x24: {  	s3 =	sadd.s32 $0x88, s3;
	s6 =	simm.s32 @!p1 $0x1082;
	[sflag:s4] =	ssyncset.s32 $0xFFFFF086  }
0x25: {  	[simem:s6], [sflag:s4] =	dma.local [hbm:s3], $0xF7A  }
0x26: {  	[smem:$0x3F9F] =	sst s1;
	(tag) =	ssettag s2;
	_ =	strace s9  }
0x27: {  	s1 =	sld [smem:$0x3FAF]  }
0x28: {  	s2 =	sld [smem:$0x3FB0]  }
0x29: {  	s4 =	sld [smem:$0x3FB2]  }
0x2a: {  	p0 =	seq.s32 s5, $0x0;
	s5 =	sld [smem:$0x3FB3]  }
0x2b: {  	s6 =	sld [smem:$0x3FB4]  }
0x2c: {  	s7 =	sld [smem:$0x3FB5]  }
0x2d: {  	s3 =	simm.s32 $0x108;
	s8 =	sld [smem:$0x3FB6]  }
0x2e: {  	s3 =	simm.s32 @!p0 $0x1082;
	s9 =	sld [smem:$0x3FB7]  }
0x2f: {  	lr =	sadd.s32 s0, s3;
	s0 =	sld [smem:$0x3FAE]  }
0x30: {  	s3 =	sld [smem:$0x3FB1]  }
0x31: {  	[smem:$0x3FBA] =	sst s10  }
0x32: {  	s10 =	sld [smem:$0x3FB8];
	_ =	sdelay $0x3  }
0x33: {  	p0 =	seq.s32 s10, $0x1;
	s10 =	sld [smem:$0x3FBA];
	_ =	sdelay $0x3  }
0x34: {  	[smem:$0x3FBA] =	sst s10  }
0x35: {  	s10 =	sld [smem:$0x3FB9];
	_ =	sdelay $0x3  }
0x36: {  	p1 =	seq.s32 s10, $0x1;
	s10 =	sld [smem:$0x3FBA];
	_ =	sdelay $0x3  }
0x37: {  	[smem:$0x3FBA] =	sst s10  }
0x38: {  	s10 =	sld [smem:$0x3FBB]  }
0x39: {  	_ = 	snop;
	(pc) =	sbr.ind lr, $3  }
0x3a: {  	_ = 	snop  }
0x3b: {  	_ = 	snop  }
0x3c: {  	p2 =	seq.s32 s10, $0x1;
	s10 =	sld [smem:$0x3FBA]  }
0x3d: {  	_ =	shalt  }
0x3e: {  	_ =	shalt  }
0x3f: {  	_ =	shalt  }
0x40: {  	_ =	shalt  }
0x41: {  	_ =	shalt  }
0x42: {  	_ =	shalt  }
0x43: {  	_ =	shalt  }
0x44: {  	_ =	shalt  }
0x45: {  	_ =	shalt  }
0x46: {  	_ =	shalt  }
0x47: {  	_ =	shalt  }
0x48: {  	_ =	shalt  }
0x49: {  	_ =	shalt  }
0x4a: {  	_ =	shalt  }
0x4b: {  	_ =	shalt  }
0x4c: {  	_ =	shalt  }
0x4d: {  	_ =	shalt  }
0x4e: {  	_ =	shalt  }
0x4f: {  	_ =	shalt  }
0x50: {  	_ =	shalt  }
0x51: {  	_ =	shalt  }
0x52: {  	_ =	shalt  }
0x53: {  	_ =	shalt  }
0x54: {  	_ =	shalt  }
0x55: {  	_ =	shalt  }
0x56: {  	_ =	shalt  }
0x57: {  	_ =	shalt  }
0x58: {  	_ =	shalt  }
0x59: {  	_ =	shalt  }
0x5a: {  	_ =	shalt  }
0x5b: {  	_ =	shalt  }
0x5c: {  	_ =	shalt  }
0x5d: {  	_ =	shalt  }
0x5e: {  	_ =	shalt  }
0x5f: {  	_ =	shalt  }
0x60: {  	_ =	shalt  }
0x61: {  	_ =	shalt  }
0x62: {  	_ =	shalt  }
0x63: {  	_ =	shalt  }
0x64: {  	_ =	shalt  }
0x65: {  	_ =	shalt  }
0x66: {  	_ =	shalt  }
0x67: {  	_ =	shalt  }
0x68: {  	_ =	shalt  }
0x69: {  	_ =	shalt  }
0x6a: {  	_ =	shalt  }
0x6b: {  	_ =	shalt  }
0x6c: {  	_ =	shalt  }
0x6d: {  	_ =	shalt  }
0x6e: {  	_ =	shalt  }
0x6f: {  	_ =	shalt  }
0x70: {  	_ =	shalt  }
0x71: {  	_ =	shalt  }
0x72: {  	_ =	shalt  }
0x73: {  	_ =	shalt  }
0x74: {  	_ =	shalt  }
0x75: {  	_ =	shalt  }
0x76: {  	_ =	shalt  }
0x77: {  	_ =	shalt  }
0x78: {  	_ =	shalt  }
0x79: {  	_ =	shalt  }
0x7a: {  	_ =	shalt  }
0x7b: {  	_ =	shalt  }
0x7c: {  	_ =	shalt  }
0x7d: {  	_ =	shalt  }
0x7e: {  	_ =	shalt  }
0x7f: {  	_ =	shalt  }
0x80: {  	_ =	shalt  }
0x81: {  	_ =	shalt  }
0x82: {  	_ =	shalt  }
0x83: {  	_ =	shalt  }
0x84: {  	_ =	shalt  }
0x85: {  	_ =	shalt  }
0x86: {  	_ =	shalt  }
0x87: {  	_ =	shalt  }
.Lfunc_end0:
.L_simem_size_0:
called_computation.1_lowered:
.L_overlay_start_0:
0x88: {  	s2 =	sld [smem:$0x3FD9]  }
0x89: {  	s3 =	sld [smem:$0x3FFE];
	_ =	sdelay $0x1  }
0x8a: {  	s1 =	srdreg.scid  }
0x8b: {  	s0 =	sand.u32 $0x1, s1  }
0x8c: {  	s16 =	sshll.u32 s0, $0xA;
	s2 =	sadd.s32 s3, s2  }
0x8d: {  	s2 =	sadd.s32 s2, s16  }
0x8e: {  	[smem:$0x3FC6] =	sst s2  }
0x8f: {  	_ = 	snop  }
0x90: {  	(tm) =	ssettm $0x1  }
0x91: {  	s17 =	sld [smem:$0x3FFB];
	_ =	sdelay $0x3  }
0x92: {  	_ =	strace s17  }
0x93: {  	s2 =	sld [smem:$0x3FFC];
	_ =	sdelay $0x3  }
0x94: {  	_ =	strace s2  }
0x95: {  	s2 =	sld [smem:$0x3FFD];
	_ =	sdelay $0x3  }
0x96: {  	_ =	strace s2  }
0x97: {  	_ =	strace $0x8FFFFFFF  }
0x98: {  	s18 =	sld [smem:$0x3FDB];
	_ =	sdelay $0x1  }
0x99: {  	s19 =	simm.s32 $_scs_section_size  }
0x9a: {  	s4 =	simm.s32 $_size__tile_overlayer_lowered;
	s5 =	simm.s32 $_tile_overlayer_lowered  }
0x9b: {  	s22 =	simm.s32 $0x1BFF;
	s21 =	sshll.u32 s5, $0x1;
	s2 =	sadd.s32 s19, s18  }
0x9c: {  	s6 =	simm.s32 $0x0;
	s20 =	sshll.u32 s4, $0x1;
	s4 =	sadd.s32 s21, s2  }
0x9d: {  	[timem:s6], [sflag:s22] =	dma.local [hbm:s4], s20  }
0x9e: {  	_ =	swait.ge [sflag:s22], s20  }
0x9f: {  	s3 =	ssub.s32 $0x0, s20;
	[sflag:s22] =	ssyncset.done $0x0  }
0xa0: {  	[sflag:s22] =	ssyncadd.s32 s3;
	_ =	sdelay $0x1  }
0xa1: {  	s23 =	simm.s32 $0x1B8B  }
0xa2: {  	_ =	swait.ge [sflag:s23], $0x1  }
0xa3: {  	[sflag:s23] =	ssyncset.done $0x0  }
0xa4: {  	s25 =	simm.s32 $0x1B8E;
	s24 =	sld [smem:$0x3FFE];
	[sflag:s23] =	ssyncadd.s32 $0xFFFFFFFF  }
0xa5: {  	s26 =	simm.s32 $execute0_lowered;
	[smem:$0x3FD2] =	sst s25  }
0xa6: {  	s4 =	sshll.u32 s26, $0x1;
	_ =	strace $0x80000049;
	[dreg:$0x1] =	wrdreg $0xFFFFFFFF  }
0xa7: {  	s28 =	simm.s32 $_size_execute0_lowered;
	s2 =	sadd.s32 s2, s4;
	[dreg:$0x0] =	wrdreg $0x0  }
0xa8: {  	s4 =	sshll.u32 s28, $0x1;
	[dreg:$0x2] =	wrdreg s2  }
0xa9: {  	[dreg:$0x3] =	wrdreg s4  }
0xaa: {  	[dreg:$0x4] =	wrdreg $0xC0  }
0xab: {  	_ =	task [dreg:s6], $0x5FFFF  }
0xac: {  	[dreg:$0x1] =	wrdreg $0xFFFFFFFF  }
0xad: {  	[dreg:$0x0] =	wrdreg $0x60  }
0xae: {  	[dreg:$0x2] =	wrdreg s24  }
0xaf: {  	[dreg:$0x3] =	wrdreg $0x9  }
0xb0: {  	_ =	task.clear_ibuf [dreg:s6], $0x4FFFF;
	_ =	strace $0x90000049  }
0xb1: {  	s29 =	simm.s32 $0x9;
	_ =	strace $0x8000004B  }
0xb2: {  	_ =	swait.ge [sflag:s29], $0x1  }
0xb3: {  	[sflag:s29] =	ssyncadd.s32 $0xFFFFFFFF  }
0xb4: {  	_ =	strace $0x9000004B  }
0xb5: {  	_ =	sfence  }
0xb6: {  	s30 =	sld [smem:$0x0];
	_ =	sdelay $0x2  }
0xb7: {  	s31 =	sshll.u32 s1, $0xD;
	s1 =	sshrl.u32 s1, $0x2  }
0xb8: {  	s3 =	sand.u32 $0x4000, s31;
	s1 =	sadd.s32 s1, s30  }
0xb9: {  	s0 =	sor.u32 s3, s0;
	s1 =	sshll.u32 s1, $0x11  }
0xba: {  	s0 =	sor.u32 s1, s0  }
0xbb: {  	s0 =	sadd.s32 $0x8F2B, s0  }
0xbc: {  	[sflag:s0] =	ssyncadd.remote.s32 $0x1  }
0xbd: {  	_ =	sfence.sel $0xFFFF  }
0xbe: {  	[dreg:$0x0] =	wrdreg $0xFFFFFFFF;
	(pc) =	sbr.abs _section_cstart, $3  }
0xbf: {  	[dreg:$0x1] =	wrdreg $0xFFFFFFFF  }
0xc0: {  	_ =	task.clear_ibuf [dreg:s6], $0x2FFFF;
	_ =	strace $0x9FFFFFFF  }
0xc1: {  	(tm) =	ssettm $0x7FFFFFFF  }
tec
execute0_lowered:
.L_overlay_start_1:
0x0: {  	(tag) =	ssettag $0x1  }
0x1: {  	s1 =	srdreg.scid;
	s0 =	stileid.u32  }
0x2: {  	s15 =	sand.u32 $0x1, s1;
	s28 =	sshll.u32 s0, $0x1  }
0x3: {  	s9 =	sor.u32 s15, s28  }
0x4: {  	s10 =	rddreg [dreg:$0x0];
	s14 =	smul.u32 $0xC80, s9  }
0x5: {  	s2 =	simm.s32 $0x0;
	s1 =	rddreg [dreg:$0x1]  }
0x6: {  	[smem:$0x7FF] =	sst s2;
	s16 =	sadd.s32 $0x18D800, s10;
	s3 =	sshrl.u32 s14, $0x3  }
0x7: {  	_ =	strace $0x8000004A;
	s4 =	sadd.s32 s16, s3;
	s3 =	simm.s32 $0x2  }
0x8: {  	[tilespmem:s2], [sflag:$0x2] =	stream.linear.gather [hbm4b:s4+s2], $0x320, $0x38;
	[tilespmem:$0x19380] =	vst v63  }
0x9: {  	_ =	swait.ge [sflag:s3], $0x320  }
0xa: {  	s6 =	simm.s32 $0x320;
	s7 =	simm.s32 $0x380;
	[sflag:s3] =	ssyncset.done $0x0  }
0xb: {  	s8 =	simm.s32 $0x1;
	s5 =	sadd.s32 $0x1800, s10;
	[sflag:s3] =	ssyncadd.s32 $0xFFFFFCE0  }
0xc: {  	[tilespmem:s7], [sflag:$0x1] =	stream.indirect.gather [hbm4b:s5+s6], $0x80, s2, s6, $0xb8;
	[tilespmem:$0x19380] =	vst v63  }
0xd: {  	s9 =	smul.u32 $0xC800, s9;
	_ =	swait.ge [sflag:s8], $0x19000  }
0xe: {  	s17 =	sadd.s32 $0x190A00, s10;
	[sflag:s8] =	ssyncset.done $0x0  }
0xf: {  	s9 =	sadd.s32 s17, s9;
	[sflag:s8] =	ssyncadd.s32 $0xFFFE7000  }
0x10: {  	[hbm4b:s9+s2] =	stream.linear.scatter [tilespmem:s7], [sflag:$0x2], $0x19000, $0x38;
	[tilespmem:$0x19380] =	vst v63  }
0x11: {  	s11 =	sadd.s32 $0x320, s14;
	_ =	swait.ge [sflag:s3], $0x19000  }
0x12: {  	s29 =	sshrl.u32 s11, $0x3;
	[sflag:s3] =	ssyncset.done $0x0  }
0x13: {  	s10 =	sadd.s32 s16, s29;
	[sflag:s3] =	ssyncadd.s32 $0xFFFE7000  }
0x14: {  	[tilespmem:s2], [sflag:$0x2] =	stream.linear.gather [hbm4b:s10+s2], $0x320, $0x38;
	[tilespmem:$0x19380] =	vst v63  }
0x15: {  	_ =	swait.ge [sflag:s3], $0x320  }
0x16: {  	[sflag:s3] =	ssyncset.done $0x0  }
0x17: {  	[sflag:s3] =	ssyncadd.s32 $0xFFFFFCE0  }
0x18: {  	[tilespmem:s7], [sflag:$0x1] =	stream.indirect.gather [hbm4b:s5+s6], $0x80, s2, s6, $0xb8;
	[tilespmem:$0x19380] =	vst v63  }
0x19: {  	_ =	swait.ge [sflag:s8], $0x19000  }
0x1a: {  	s11 =	sshll.u32 s11, $0x4;
	[sflag:s8] =	ssyncset.done $0x0  }
0x1b: {  	s11 =	sadd.s32 s17, s11;
	[sflag:s8] =	ssyncadd.s32 $0xFFFE7000  }
0x1c: {  	[hbm4b:s11+s2] =	stream.linear.scatter [tilespmem:s7], [sflag:$0x2], $0x19000, $0x38;
	[tilespmem:$0x19380] =	vst v63  }
0x1d: {  	s13 =	sadd.s32 $0x640, s14;
	_ =	swait.ge [sflag:s3], $0x19000  }
0x1e: {  	s12 =	sshrl.u32 s13, $0x3;
	[sflag:s3] =	ssyncset.done $0x0  }
0x1f: {  	s12 =	sadd.s32 s16, s12;
	[sflag:s3] =	ssyncadd.s32 $0xFFFE7000  }
0x20: {  	[tilespmem:s2], [sflag:$0x2] =	stream.linear.gather [hbm4b:s12+s2], $0x320, $0x38;
	[tilespmem:$0x19380] =	vst v63  }
0x21: {  	_ =	swait.ge [sflag:s3], $0x320  }
0x22: {  	[sflag:s3] =	ssyncset.done $0x0  }
0x23: {  	[sflag:s3] =	ssyncadd.s32 $0xFFFFFCE0  }
0x24: {  	[tilespmem:s7], [sflag:$0x1] =	stream.indirect.gather [hbm4b:s5+s6], $0x80, s2, s6, $0xb8;
	[tilespmem:$0x19380] =	vst v63  }
0x25: {  	_ =	swait.ge [sflag:s8], $0x19000  }
0x26: {  	s13 =	sshll.u32 s13, $0x4;
	[sflag:s8] =	ssyncset.done $0x0  }
0x27: {  	s13 =	sadd.s32 s17, s13;
	[sflag:s8] =	ssyncadd.s32 $0xFFFE7000  }
0x28: {  	[hbm4b:s13+s2] =	stream.linear.scatter [tilespmem:s7], [sflag:$0x2], $0x19000, $0x38;
	[tilespmem:$0x19380] =	vst v63  }
0x29: {  	s18 =	sadd.s32 $0x960, s14;
	_ =	swait.ge [sflag:s3], $0x19000  }
0x2a: {  	s14 =	sshrl.u32 s18, $0x3;
	[sflag:s3] =	ssyncset.done $0x0  }
0x2b: {  	s15 =	ssub.s32 $0x2, s15;
	s14 =	sadd.s32 s16, s14;
	[sflag:s3] =	ssyncadd.s32 $0xFFFE7000  }
0x2c: {  	[tilespmem:s2], [sflag:$0x2] =	stream.linear.gather [hbm4b:s14+s2], $0x320, $0x38;
	[tilespmem:$0x19380] =	vst v63  }
0x2d: {  	s30 =	sshrl.u32 s15, $0x1;
	_ =	swait.ge [sflag:s3], $0x320  }
0x2e: {  	s16 =	ssub.s32 s15, s30;
	[sflag:s3] =	ssyncset.done $0x0  }
0x2f: {  	s16 =	smax.u32 s16, $0x1;
	[sflag:s3] =	ssyncadd.s32 $0xFFFFFCE0  }
0x30: {  	[tilespmem:s7], [sflag:$0x1] =	stream.indirect.gather [hbm4b:s5+s6], $0x80, s2, s6, $0xb8;
	[tilespmem:$0x19380] =	vst v63  }
0x31: {  	p0 =	sne.s32 s16, $0x1;
	_ =	swait.ge [sflag:s8], $0x19000  }
.Ltmp0:
0x32: {  	s31 =	sshll.u32 s18, $0x4;
	[sflag:s8] =	ssyncset.done $0x0;
	(pc) =	sbr.rel @!p0 .LBB2_2-.Ltmp0, $4  }
0x33: {  	s15 =	sadd.s32 s17, s31;
	[sflag:s8] =	ssyncadd.s32 $0xFFFE7000  }
0x34: {  	[hbm4b:s15+s2] =	stream.linear.scatter [tilespmem:s7], [sflag:$0x2], $0x19000, $0x38;
	[tilespmem:$0x19380] =	vst v63  }
0x35: {  	_ =	swait.ge [sflag:s3], $0x19000  }
0x36: {  	s16 =	sadd.s32 $0xFFFFFFFF, s16;
	[sflag:s3] =	ssyncset.done $0x0  }
.LBB2_1:
0x37: {  	p0 =	sne.s32 s16, $0x1;
	s16 =	sadd.s32 $0xFFFFFFFF, s16;
	[sflag:s3] =	ssyncadd.s32 $0xFFFE7000  }
0x38: {  	[tilespmem:s2], [sflag:$0x2] =	stream.linear.gather [hbm4b:s4+s2], $0x320, $0x38;
	[tilespmem:$0x19380] =	vst v63  }
0x39: {  	_ =	swait.ge [sflag:s3], $0x320  }
0x3a: {  	[sflag:s3] =	ssyncset.done $0x0  }
0x3b: {  	[sflag:s3] =	ssyncadd.s32 $0xFFFFFCE0  }
0x3c: {  	[tilespmem:s7], [sflag:$0x1] =	stream.indirect.gather [hbm4b:s5+s6], $0x80, s2, s6, $0xb8;
	[tilespmem:$0x19380] =	vst v63  }
0x3d: {  	_ =	swait.ge [sflag:s8], $0x19000  }
0x3e: {  	[sflag:s8] =	ssyncset.done $0x0  }
0x3f: {  	[sflag:s8] =	ssyncadd.s32 $0xFFFE7000  }
0x40: {  	[hbm4b:s9+s2] =	stream.linear.scatter [tilespmem:s7], [sflag:$0x2], $0x19000, $0x38;
	[tilespmem:$0x19380] =	vst v63  }
0x41: {  	_ =	swait.ge [sflag:s3], $0x19000  }
0x42: {  	[sflag:s3] =	ssyncset.done $0x0  }
0x43: {  	[sflag:s3] =	ssyncadd.s32 $0xFFFE7000  }
0x44: {  	[tilespmem:s2], [sflag:$0x2] =	stream.linear.gather [hbm4b:s10+s2], $0x320, $0x38;
	[tilespmem:$0x19380] =	vst v63  }
0x45: {  	_ =	swait.ge [sflag:s3], $0x320  }
0x46: {  	[sflag:s3] =	ssyncset.done $0x0  }
0x47: {  	[sflag:s3] =	ssyncadd.s32 $0xFFFFFCE0  }
0x48: {  	[tilespmem:s7], [sflag:$0x1] =	stream.indirect.gather [hbm4b:s5+s6], $0x80, s2, s6, $0xb8;
	[tilespmem:$0x19380] =	vst v63  }
0x49: {  	_ =	swait.ge [sflag:s8], $0x19000  }
0x4a: {  	[sflag:s8] =	ssyncset.done $0x0  }
0x4b: {  	[sflag:s8] =	ssyncadd.s32 $0xFFFE7000  }
0x4c: {  	[hbm4b:s11+s2] =	stream.linear.scatter [tilespmem:s7], [sflag:$0x2], $0x19000, $0x38;
	[tilespmem:$0x19380] =	vst v63  }
0x4d: {  	_ =	swait.ge [sflag:s3], $0x19000  }
0x4e: {  	[sflag:s3] =	ssyncset.done $0x0  }
0x4f: {  	[sflag:s3] =	ssyncadd.s32 $0xFFFE7000  }
0x50: {  	[tilespmem:s2], [sflag:$0x2] =	stream.linear.gather [hbm4b:s12+s2], $0x320, $0x38;
	[tilespmem:$0x19380] =	vst v63  }
0x51: {  	_ =	swait.ge [sflag:s3], $0x320  }
0x52: {  	[sflag:s3] =	ssyncset.done $0x0  }
0x53: {  	[sflag:s3] =	ssyncadd.s32 $0xFFFFFCE0  }
0x54: {  	[tilespmem:s7], [sflag:$0x1] =	stream.indirect.gather [hbm4b:s5+s6], $0x80, s2, s6, $0xb8;
	[tilespmem:$0x19380] =	vst v63  }
0x55: {  	_ =	swait.ge [sflag:s8], $0x19000  }
0x56: {  	[sflag:s8] =	ssyncset.done $0x0  }
0x57: {  	[sflag:s8] =	ssyncadd.s32 $0xFFFE7000  }
0x58: {  	[hbm4b:s13+s2] =	stream.linear.scatter [tilespmem:s7], [sflag:$0x2], $0x19000, $0x38;
	[tilespmem:$0x19380] =	vst v63  }
0x59: {  	_ =	swait.ge [sflag:s3], $0x19000  }
0x5a: {  	[sflag:s3] =	ssyncset.done $0x0  }
0x5b: {  	[sflag:s3] =	ssyncadd.s32 $0xFFFE7000  }
0x5c: {  	[tilespmem:s2], [sflag:$0x2] =	stream.linear.gather [hbm4b:s14+s2], $0x320, $0x38;
	[tilespmem:$0x19380] =	vst v63  }
0x5d: {  	_ =	swait.ge [sflag:s3], $0x320  }
0x5e: {  	[sflag:s3] =	ssyncset.done $0x0  }
0x5f: {  	[sflag:s3] =	ssyncadd.s32 $0xFFFFFCE0  }
0x60: {  	[tilespmem:s7], [sflag:$0x1] =	stream.indirect.gather [hbm4b:s5+s6], $0x80, s2, s6, $0xb8;
	[tilespmem:$0x19380] =	vst v63  }
0x61: {  	_ =	swait.ge [sflag:s8], $0x19000  }
.Ltmp1:
0x62: {  	[sflag:s8] =	ssyncset.done $0x0;
	(pc) =	sbr.rel @p0 .LBB2_1-.Ltmp1, $4  }
0x63: {  	[sflag:s8] =	ssyncadd.s32 $0xFFFE7000  }
0x64: {  	[hbm4b:s15+s2] =	stream.linear.scatter [tilespmem:s7], [sflag:$0x2], $0x19000, $0x38;
	[tilespmem:$0x19380] =	vst v63  }
0x65: {  	_ =	swait.ge [sflag:s3], $0x19000  }
0x66: {  	[sflag:s3] =	ssyncset.done $0x0  }
.LBB2_2:
0x67: {  	[sflag:s3] =	ssyncadd.s32 $0xFFFE7000  }
0x68: {  	_ =	sfence.sel $0x180000  }
0x69: {  	[bflag:$0x0] =	sbarrier.arrive $0xFFFF  }
0x6a: {  	p0 =	sne.s32 s0, $0x0;
	_ =	strace $0x9000004A  }
0x6b: {  	s0 =	sadd.s32 @!p0 $0x100000, s1;
	[bflag:$0x2] =	sbarrier.arrive $0xFFFF  }
0x6c: {  	[sflag:s0] =	ssyncadd.tile.s32 @!p0 $0x1;
	_ =	shalt  }
.Lfunc_end2:
_tile_overlayer_lowered:
.L_overlay_start_2:
0x6d: {  	(tag) =	ssettag $0x2  }
0x6e: {  	s0 =	rddreg [dreg:$0x0];
	s2 =	stileid.u32  }
0x6f: {  	s1 =	rddreg [dreg:$0x1];
	p0 =	sne.s32 s2, $0x0  }
0x70: {  	s3 =	rddreg [dreg:$0x2];
	[bflag:$0x3] =	sbarrier.arrive $0xFFFF;
	s2 =	simm.s32 @!p0 $0x1C02  }
0x71: {  	[timem:s3], [sflag:s2] =	dma.local @!p0 [hbm:s0], s1  }
0x72: {  	s0 =	simm.s32 @!p0 $0x2  }
0x73: {  	_ =	swait.ge @!p0 [sflag:s0], s1  }
0x74: {  	s1 =	ssub.s32 @!p0 $0x0, s1;
	[sflag:s0] =	ssyncset.done @!p0 $0x0  }
0x75: {  	[sflag:s0] =	ssyncadd.s32 @!p0 s1  }
0x76: {  	[bflag:$0x3] =	sbarrier.arrive $0xFFFF  }
0x77: {  	_ =	shalt  }

// kernel: kernel.7.cloned.1.call-start
scs
__scs_entry_jumppad:
0x0: {  	(pc) =	sbr.rel $0x88, $3  }
0x1: {  	(tag) =	ssettag $0x0;
	lr =	simm.s32 $0x1  }
0x2: {  	[smem:$0x3F9F] =	sst lr;
	_ =	strace $0xD0000000  }
0x3: {  	_ = 	snop  }
0x4: {  	_ = 	snop  }
0x5: {  	_ = 	snop  }
0x6: {  	_ = 	snop  }
0x7: {  	_ = 	snop  }
__scs_overlays_trampoline_lowered:
0x8: {  	[smem:$0x3FAE] =	sst s0  }
0x9: {  	[smem:$0x3FAF] =	sst s1  }
0xa: {  	[smem:$0x3FB0] =	sst s2  }
0xb: {  	[smem:$0x3FB1] =	sst s3  }
0xc: {  	[smem:$0x3FB2] =	sst s4  }
0xd: {  	[smem:$0x3FB3] =	sst s5  }
0xe: {  	[smem:$0x3FB4] =	sst s6  }
0xf: {  	[smem:$0x3FB5] =	sst s7  }
0x10: {  	[smem:$0x3FB6] =	sst s8  }
0x11: {  	[smem:$0x3FB7] =	sst s9;
	s0 =	simm.s32 @!p0 $0x0  }
0x12: {  	s1 =	sld [smem:$0x3F9D];
	s0 =	simm.s32 @p0 $0x1  }
0x13: {  	[smem:$0x3FB8] =	sst s0;
	s0 =	simm.s32 @!p1 $0x0  }
0x14: {  	s2 =	sld [smem:$0x3F9C];
	s0 =	simm.s32 @p1 $0x1  }
0x15: {  	[smem:$0x3FB9] =	sst s0;
	s0 =	simm.s32 @!p2 $0x0  }
0x16: {  	s3 =	sld [smem:$0x3FDB];
	s0 =	simm.s32 @p2 $0x1  }
0x17: {  	s4 =	simm.s32 $0x1BF5;
	[smem:$0x3FBB] =	sst s0  }
0x18: {  	s0 =	sld [smem:$0x3F9E];
	_ =	swait.ge [sflag:s4], $0x0  }
0x19: {  	s7 =	sld [smem:$0x3F9F]  }
0x1a: {  	s8 =	sadd.s32 $0xFFFFE003, lr  }
0x1b: {  	s9 =	sadd.s32 $0xFFFFFEF7, lr;
	s5 =	simm.s32 $0xFFFFFFFF;
	p2 =	slt.u32 s8, $0xFFFFF086  }
0x1c: {  	p1 =	slt.u32 s9, $0xF7A;
	s5 =	simm.s32 @!p2 $0x0  }
0x1d: {  	s5 =	simm.s32 @p1 $0x1;
	p0 =	seq.s32 s7, s2  }
0x1e: {  	s7 =	smul.u32 @!p0 $0xF7A, s2;
	p2 =	seq.s32 @!p0 s5, $0x0  }
0x1f: {  	s9 =	smul.u32 $0xF7A, s1;
	s8 =	simm.s32 @!p0 $0x1BF5;
	p2 =	por !p2, p0  }
0x20: {  	[sflag:s8] =	ssyncset.s32 @!p0 $0xFFFFF086;
	s6 =	sadd.s32 @!p0 s3, s7;
	s7 =	simm.s32 @!p0 $0x108  }
0x21: {  	s3 =	sadd.s32 s3, s9;
	s6 =	sadd.s32 @!p0 $0x88, s6;
	s7 =	simm.s32 @p2 $0x1082  }
0x22: {  	[simem:s7], [sflag:s8] =	dma.local @!p0 [hbm:s6], $0xF7A  }
0x23: {  	s9 =	sor.u32 $0xD0000000, s2;
	s6 =	simm.s32 $0x108;
	_ =	swait.ge @!p0 [sflag:s8], $0x0  }
0x24: {  	s3 =	sadd.s32 $0x88, s3;
	s6 =	simm.s32 @!p1 $0x1082;
	[sflag:s4] =	ssyncset.s32 $0xFFFFF086  }
0x25: {  	[simem:s6], [sflag:s4] =	dma.local [hbm:s3], $0xF7A  }
0x26: {  	[smem:$0x3F9F] =	sst s1;
	(tag) =	ssettag s2;
	_ =	strace s9  }
0x27: {  	s1 =	sld [smem:$0x3FAF]  }
0x28: {  	s2 =	sld [smem:$0x3FB0]  }
0x29: {  	s4 =	sld [smem:$0x3FB2]  }
0x2a: {  	p0 =	seq.s32 s5, $0x0;
	s5 =	sld [smem:$0x3FB3]  }
0x2b: {  	s6 =	sld [smem:$0x3FB4]  }
0x2c: {  	s7 =	sld [smem:$0x3FB5]  }
0x2d: {  	s3 =	simm.s32 $0x108;
	s8 =	sld [smem:$0x3FB6]  }
0x2e: {  	s3 =	simm.s32 @!p0 $0x1082;
	s9 =	sld [smem:$0x3FB7]  }
0x2f: {  	lr =	sadd.s32 s0, s3;
	s0 =	sld [smem:$0x3FAE]  }
0x30: {  	s3 =	sld [smem:$0x3FB1]  }
0x31: {  	[smem:$0x3FBA] =	sst s10  }
0x32: {  	s10 =	sld [smem:$0x3FB8];
	_ =	sdelay $0x3  }
0x33: {  	p0 =	seq.s32 s10, $0x1;
	s10 =	sld [smem:$0x3FBA];
	_ =	sdelay $0x3  }
0x34: {  	[smem:$0x3FBA] =	sst s10  }
0x35: {  	s10 =	sld [smem:$0x3FB9];
	_ =	sdelay $0x3  }
0x36: {  	p1 =	seq.s32 s10, $0x1;
	s10 =	sld [smem:$0x3FBA];
	_ =	sdelay $0x3  }
0x37: {  	[smem:$0x3FBA] =	sst s10  }
0x38: {  	s10 =	sld [smem:$0x3FBB]  }
0x39: {  	_ = 	snop;
	(pc) =	sbr.ind lr, $3  }
0x3a: {  	_ = 	snop  }
0x3b: {  	_ = 	snop  }
0x3c: {  	p2 =	seq.s32 s10, $0x1;
	s10 =	sld [smem:$0x3FBA]  }
0x3d: {  	_ =	shalt  }
0x3e: {  	_ =	shalt  }
0x3f: {  	_ =	shalt  }
0x40: {  	_ =	shalt  }
0x41: {  	_ =	shalt  }
0x42: {  	_ =	shalt  }
0x43: {  	_ =	shalt  }
0x44: {  	_ =	shalt  }
0x45: {  	_ =	shalt  }
0x46: {  	_ =	shalt  }
0x47: {  	_ =	shalt  }
0x48: {  	_ =	shalt  }
0x49: {  	_ =	shalt  }
0x4a: {  	_ =	shalt  }
0x4b: {  	_ =	shalt  }
0x4c: {  	_ =	shalt  }
0x4d: {  	_ =	shalt  }
0x4e: {  	_ =	shalt  }
0x4f: {  	_ =	shalt  }
0x50: {  	_ =	shalt  }
0x51: {  	_ =	shalt  }
0x52: {  	_ =	shalt  }
0x53: {  	_ =	shalt  }
0x54: {  	_ =	shalt  }
0x55: {  	_ =	shalt  }
0x56: {  	_ =	shalt  }
0x57: {  	_ =	shalt  }
0x58: {  	_ =	shalt  }
0x59: {  	_ =	shalt  }
0x5a: {  	_ =	shalt  }
0x5b: {  	_ =	shalt  }
0x5c: {  	_ =	shalt  }
0x5d: {  	_ =	shalt  }
0x5e: {  	_ =	shalt  }
0x5f: {  	_ =	shalt  }
0x60: {  	_ =	shalt  }
0x61: {  	_ =	shalt  }
0x62: {  	_ =	shalt  }
0x63: {  	_ =	shalt  }
0x64: {  	_ =	shalt  }
0x65: {  	_ =	shalt  }
0x66: {  	_ =	shalt  }
0x67: {  	_ =	shalt  }
0x68: {  	_ =	shalt  }
0x69: {  	_ =	shalt  }
0x6a: {  	_ =	shalt  }
0x6b: {  	_ =	shalt  }
0x6c: {  	_ =	shalt  }
0x6d: {  	_ =	shalt  }
0x6e: {  	_ =	shalt  }
0x6f: {  	_ =	shalt  }
0x70: {  	_ =	shalt  }
0x71: {  	_ =	shalt  }
0x72: {  	_ =	shalt  }
0x73: {  	_ =	shalt  }
0x74: {  	_ =	shalt  }
0x75: {  	_ =	shalt  }
0x76: {  	_ =	shalt  }
0x77: {  	_ =	shalt  }
0x78: {  	_ =	shalt  }
0x79: {  	_ =	shalt  }
0x7a: {  	_ =	shalt  }
0x7b: {  	_ =	shalt  }
0x7c: {  	_ =	shalt  }
0x7d: {  	_ =	shalt  }
0x7e: {  	_ =	shalt  }
0x7f: {  	_ =	shalt  }
0x80: {  	_ =	shalt  }
0x81: {  	_ =	shalt  }
0x82: {  	_ =	shalt  }
0x83: {  	_ =	shalt  }
0x84: {  	_ =	shalt  }
0x85: {  	_ =	shalt  }
0x86: {  	_ =	shalt  }
0x87: {  	_ =	shalt  }
.Lfunc_end0:
.L_simem_size_0:
called_computation_lowered:
.L_overlay_start_0:
0x88: {  	s2 =	sld [smem:$0x3FD9]  }
0x89: {  	s3 =	sld [smem:$0x3FFE];
	_ =	sdelay $0x1  }
0x8a: {  	s1 =	srdreg.scid  }
0x8b: {  	s0 =	sand.u32 $0x1, s1  }
0x8c: {  	s16 =	sshll.u32 s0, $0xA;
	s2 =	sadd.s32 s3, s2  }
0x8d: {  	s2 =	sadd.s32 s2, s16  }
0x8e: {  	[smem:$0x3FC6] =	sst s2  }
0x8f: {  	_ = 	snop  }
0x90: {  	(tm) =	ssettm $0x1  }
0x91: {  	s17 =	sld [smem:$0x3FFB];
	_ =	sdelay $0x3  }
0x92: {  	_ =	strace s17  }
0x93: {  	s2 =	sld [smem:$0x3FFC];
	_ =	sdelay $0x3  }
0x94: {  	_ =	strace s2  }
0x95: {  	s2 =	sld [smem:$0x3FFD];
	_ =	sdelay $0x3  }
0x96: {  	_ =	strace s2  }
0x97: {  	_ =	strace $0x8FFFFFFF  }
0x98: {  	s18 =	sld [smem:$0x3FDB];
	_ =	sdelay $0x1  }
0x99: {  	s19 =	simm.s32 $_scs_section_size  }
0x9a: {  	s4 =	simm.s32 $_size__tile_overlayer_lowered;
	s5 =	simm.s32 $_tile_overlayer_lowered  }
0x9b: {  	s22 =	simm.s32 $0x1BFF;
	s21 =	sshll.u32 s5, $0x1;
	s2 =	sadd.s32 s19, s18  }
0x9c: {  	s6 =	simm.s32 $0x0;
	s20 =	sshll.u32 s4, $0x1;
	s4 =	sadd.s32 s21, s2  }
0x9d: {  	[timem:s6], [sflag:s22] =	dma.local [hbm:s4], s20  }
0x9e: {  	_ =	swait.ge [sflag:s22], s20  }
0x9f: {  	s3 =	ssub.s32 $0x0, s20;
	[sflag:s22] =	ssyncset.done $0x0  }
0xa0: {  	[sflag:s22] =	ssyncadd.s32 s3;
	_ =	sdelay $0x1  }
0xa1: {  	s23 =	simm.s32 $0x1B8B  }
0xa2: {  	_ =	swait.ge [sflag:s23], $0x1  }
0xa3: {  	[sflag:s23] =	ssyncset.done $0x0  }
0xa4: {  	s25 =	simm.s32 $0x1B8E;
	s24 =	sld [smem:$0x3FFE];
	[sflag:s23] =	ssyncadd.s32 $0xFFFFFFFF  }
0xa5: {  	s26 =	simm.s32 $execute0_lowered;
	[smem:$0x3FD2] =	sst s25  }
0xa6: {  	s4 =	sshll.u32 s26, $0x1;
	_ =	strace $0x80000046;
	[dreg:$0x1] =	wrdreg $0xFFFFFFFF  }
0xa7: {  	s28 =	simm.s32 $_size_execute0_lowered;
	s2 =	sadd.s32 s2, s4;
	[dreg:$0x0] =	wrdreg $0x0  }
0xa8: {  	s4 =	sshll.u32 s28, $0x1;
	[dreg:$0x2] =	wrdreg s2  }
0xa9: {  	[dreg:$0x3] =	wrdreg s4  }
0xaa: {  	[dreg:$0x4] =	wrdreg $0xC0  }
0xab: {  	_ =	task [dreg:s6], $0x5FFFF  }
0xac: {  	[dreg:$0x1] =	wrdreg $0xFFFFFFFF  }
0xad: {  	[dreg:$0x0] =	wrdreg $0x60  }
0xae: {  	[dreg:$0x2] =	wrdreg s24  }
0xaf: {  	[dreg:$0x3] =	wrdreg $0x9  }
0xb0: {  	_ =	task.clear_ibuf [dreg:s6], $0x4FFFF;
	_ =	strace $0x90000046  }
0xb1: {  	s29 =	simm.s32 $0x9;
	_ =	strace $0x80000048  }
0xb2: {  	_ =	swait.ge [sflag:s29], $0x1  }
0xb3: {  	[sflag:s29] =	ssyncadd.s32 $0xFFFFFFFF  }
0xb4: {  	_ =	strace $0x90000048  }
0xb5: {  	_ =	sfence  }
0xb6: {  	s30 =	sld [smem:$0x0];
	_ =	sdelay $0x2  }
0xb7: {  	s31 =	sshll.u32 s1, $0xD;
	s1 =	sshrl.u32 s1, $0x2  }
0xb8: {  	s3 =	sand.u32 $0x4000, s31;
	s1 =	sadd.s32 s1, s30  }
0xb9: {  	s0 =	sor.u32 s3, s0;
	s1 =	sshll.u32 s1, $0x11  }
0xba: {  	s0 =	sor.u32 s1, s0  }
0xbb: {  	s0 =	sadd.s32 $0x8F2B, s0  }
0xbc: {  	[sflag:s0] =	ssyncadd.remote.s32 $0x1  }
0xbd: {  	_ =	sfence.sel $0xFFFF  }
0xbe: {  	[dreg:$0x0] =	wrdreg $0xFFFFFFFF;
	(pc) =	sbr.abs _section_cstart, $3  }
0xbf: {  	[dreg:$0x1] =	wrdreg $0xFFFFFFFF  }
0xc0: {  	_ =	task.clear_ibuf [dreg:s6], $0x2FFFF;
	_ =	strace $0x9FFFFFFF  }
0xc1: {  	(tm) =	ssettm $0x7FFFFFFF  }
tec
execute0_lowered:
.L_overlay_start_1:
0x0: {  	(tag) =	ssettag $0x1  }
0x1: {  	s1 =	srdreg.scid;
	s0 =	stileid.u32  }
0x2: {  	s6 =	sand.u32 $0x1, s1;
	s30 =	sshll.u32 s0, $0x1  }
0x3: {  	s9 =	rddreg [dreg:$0x0];
	s7 =	sor.u32 s6, s30  }
0x4: {  	s2 =	simm.s32 $0x0;
	s1 =	rddreg [dreg:$0x1];
	s3 =	smul.u32 $0x28, s7  }
0x5: {  	s8 =	simm.s32 $0x1;
	[smem:$0x7FF] =	sst s2;
	s5 =	sadd.s32 $0x1800, s9  }
0x6: {  	_ =	strace $0x80000047;
	s11 =	ssub.s32 $0x2, s6;
	s3 =	sadd.s32 s3, s9  }
0x7: {  	s6 =	simm.s32 $0x140;
	s4 =	sadd.s32 $0x18D800, s3;
	s3 =	simm.s32 $0x2  }
0x8: {  	[tilespmem:s2], [sflag:$0x2] =	stream.linear.gather [hbm4b:s4+s2], $0x140, $0x38;
	[tilespmem:$0xA180] =	vst v63  }
0x9: {  	s10 =	smul.u32 $0x1400, s7;
	s12 =	sshrl.u32 s11, $0x1;
	_ =	swait.ge [sflag:s3], $0x140  }
0xa: {  	s7 =	simm.s32 $0x180;
	s31 =	ssub.s32 s11, s12;
	[sflag:s3] =	ssyncset.done $0x0  }
0xb: {  	s9 =	sadd.s32 s10, s9;
	s10 =	smax.u32 s31, $0x1;
	[sflag:s3] =	ssyncadd.s32 $0xFFFFFEC0  }
0xc: {  	[tilespmem:s7], [sflag:$0x1] =	stream.indirect.gather [hbm4b:s5+s6], $0x80, s2, s6, $0xb8;
	[tilespmem:$0xA180] =	vst v63  }
0xd: {  	p0 =	sne.s32 s10, $0x1;
	_ =	swait.ge [sflag:s8], $0xA000  }
.Ltmp0:
0xe: {  	[sflag:s8] =	ssyncset.done $0x0;
	(pc) =	sbr.rel @!p0 .LBB2_2-.Ltmp0, $4  }
0xf: {  	s9 =	sadd.s32 $0x18DE00, s9;
	[sflag:s8] =	ssyncadd.s32 $0xFFFF6000  }
0x10: {  	[hbm4b:s9+s2] =	stream.linear.scatter [tilespmem:s7], [sflag:$0x2], $0xA000, $0x38;
	[tilespmem:$0xA180] =	vst v63  }
0x11: {  	_ =	swait.ge [sflag:s3], $0xA000  }
0x12: {  	s10 =	sadd.s32 $0xFFFFFFFF, s10;
	[sflag:s3] =	ssyncset.done $0x0  }
.LBB2_1:
0x13: {  	p0 =	sne.s32 s10, $0x1;
	s10 =	sadd.s32 $0xFFFFFFFF, s10;
	[sflag:s3] =	ssyncadd.s32 $0xFFFF6000  }
0x14: {  	[tilespmem:s2], [sflag:$0x2] =	stream.linear.gather [hbm4b:s4+s2], $0x140, $0x38;
	[tilespmem:$0xA180] =	vst v63  }
0x15: {  	_ =	swait.ge [sflag:s3], $0x140  }
0x16: {  	[sflag:s3] =	ssyncset.done $0x0  }
0x17: {  	[sflag:s3] =	ssyncadd.s32 $0xFFFFFEC0  }
0x18: {  	[tilespmem:s7], [sflag:$0x1] =	stream.indirect.gather [hbm4b:s5+s6], $0x80, s2, s6, $0xb8;
	[tilespmem:$0xA180] =	vst v63  }
0x19: {  	_ =	swait.ge [sflag:s8], $0xA000  }
.Ltmp1:
0x1a: {  	[sflag:s8] =	ssyncset.done $0x0;
	(pc) =	sbr.rel @p0 .LBB2_1-.Ltmp1, $4  }
0x1b: {  	[sflag:s8] =	ssyncadd.s32 $0xFFFF6000  }
0x1c: {  	[hbm4b:s9+s2] =	stream.linear.scatter [tilespmem:s7], [sflag:$0x2], $0xA000, $0x38;
	[tilespmem:$0xA180] =	vst v63  }
0x1d: {  	_ =	swait.ge [sflag:s3], $0xA000  }
0x1e: {  	[sflag:s3] =	ssyncset.done $0x0  }
.LBB2_2:
0x1f: {  	[sflag:s3] =	ssyncadd.s32 $0xFFFF6000  }
0x20: {  	_ =	sfence.sel $0x180000  }
0x21: {  	[bflag:$0x0] =	sbarrier.arrive $0xFFFF  }
0x22: {  	p0 =	sne.s32 s0, $0x0;
	_ =	strace $0x90000047  }
0x23: {  	s0 =	sadd.s32 @!p0 $0x100000, s1;
	[bflag:$0x2] =	sbarrier.arrive $0xFFFF  }
0x24: {  	[sflag:s0] =	ssyncadd.tile.s32 @!p0 $0x1;
	_ =	shalt  }
.Lfunc_end2:
_tile_overlayer_lowered:
.L_overlay_start_2:
0x25: {  	(tag) =	ssettag $0x2  }
0x26: {  	s0 =	rddreg [dreg:$0x0];
	s2 =	stileid.u32  }
0x27: {  	s1 =	rddreg [dreg:$0x1];
	p0 =	sne.s32 s2, $0x0  }
0x28: {  	s3 =	rddreg [dreg:$0x2];
	[bflag:$0x3] =	sbarrier.arrive $0xFFFF;
	s2 =	simm.s32 @!p0 $0x1C02  }
0x29: {  	[timem:s3], [sflag:s2] =	dma.local @!p0 [hbm:s0], s1  }
0x2a: {  	s0 =	simm.s32 @!p0 $0x2  }
0x2b: {  	_ =	swait.ge @!p0 [sflag:s0], s1  }
0x2c: {  	s1 =	ssub.s32 @!p0 $0x0, s1;
	[sflag:s0] =	ssyncset.done @!p0 $0x0  }
0x2d: {  	[sflag:s0] =	ssyncadd.s32 @!p0 s1  }
0x2e: {  	[bflag:$0x3] =	sbarrier.arrive $0xFFFF  }
0x2f: {  	_ =	shalt  }

</sc_bundles>
